<compile_context>
chip_gen: v7x
topology: tpu7x:2x2x1
jax: 0.10.2.dev20260603
libtpu: 0.0.44.dev20260713+nightly
codegen_flags: <defaults>
</compile_context>

<pallas_src>
import functools

import jax
import jax.numpy as jnp
from jax import lax
from jax.experimental import pallas as pl
from jax.experimental.pallas import tpu as pltpu
from jax.experimental.pallas import tpu_sc as plsc

B, C, H, W, K = 16, 80, 128, 128, 128
HW = H * W
HM_W, WH_W, OFF_W = 1.0, 0.1, 1.0


_ROWS = B * C
_BLK = 64


def _focal_block(x_ref, g_ref, out_ref):
    @pl.when(pl.program_id(0) == 0)
    def _init():
        out_ref[0] = 0.0
        out_ref[1] = 0.0
        out_ref[2] = 0.0

    x = x_ref[...]
    g = g_ref[...]
    pred = jnp.clip(1.0 / (1.0 + jnp.exp(-x)), 1e-4, 1.0 - 1e-4)
    pos = (g == 1.0).astype(jnp.float32)
    neg = (g < 1.0).astype(jnp.float32)
    one_m_pred = 1.0 - pred
    gm = 1.0 - g
    neg_w = (gm * gm) * (gm * gm)
    pos_l = jnp.log(pred) * (one_m_pred * one_m_pred) * pos
    neg_l = jnp.log(one_m_pred) * (pred * pred) * neg_w * neg
    out_ref[0] += jnp.sum(pos_l)
    out_ref[1] += jnp.sum(neg_l)
    out_ref[2] += jnp.sum(pos)


_focal = pl.pallas_call(
    _focal_block,
    grid=(_ROWS // _BLK,),
    in_specs=[
        pl.BlockSpec((_BLK, HW), lambda i: (i, 0)),
        pl.BlockSpec((_BLK, HW), lambda i: (i, 0)),
    ],
    out_specs=pl.BlockSpec(memory_space=pltpu.SMEM),
    out_shape=jax.ShapeDtypeStruct((3,), jnp.float32),
)


_NC, _NS = 2, 16
_NW = _NC * _NS
_NPAIR = B * K
_PPW = _NPAIR // _NW

_sc_mesh = plsc.VectorSubcoreMesh(core_axis_name="c", subcore_axis_name="s")


@functools.partial(
    pl.kernel,
    mesh=_sc_mesh,
    out_type=[
        jax.ShapeDtypeStruct((_NW, 16), jnp.float32),
        jax.ShapeDtypeStruct((_NW, 16), jnp.float32),
        jax.ShapeDtypeStruct((_NW, 16), jnp.float32),
    ],
    scratch_types=[
        pltpu.VMEM((_PPW,), jnp.int32),
        pltpu.VMEM((2 * _PPW,), jnp.int32),
        pltpu.VMEM((2 * _PPW,), jnp.float32),
        pltpu.VMEM((2 * _PPW,), jnp.float32),
        pltpu.VMEM((_PPW,), jnp.float32),
        pltpu.VMEM((_PPW,), jnp.float32),
        pltpu.VMEM((_PPW,), jnp.float32),
        pltpu.VMEM((_PPW,), jnp.float32),
        pltpu.VMEM((_PPW,), jnp.float32),
        pltpu.VMEM((16,), jnp.float32),
        pltpu.SemaphoreType.DMA,
    ],
)
def _sc_reg(wh_hbm, reg_hbm, whgt_hbm, reggt_hbm, mask_hbm, ind_hbm,
            out_wh, out_off, out_m,
            ind_v, idx_v, whv, regv, gt0, gt1, gt2, gt3, mv, accv, sem):
    wid = lax.axis_index("s") * _NC + lax.axis_index("c")
    base = wid * _PPW
    b = wid // 2
    ko = (wid % 2) * _PPW

    pltpu.sync_copy(ind_hbm.at[pl.ds(base, _PPW)], ind_v)
    pltpu.sync_copy(mask_hbm.at[pl.ds(base, _PPW)], mv)
    gtbase = b * (2 * K) + ko
    pltpu.sync_copy(whgt_hbm.at[pl.ds(gtbase, _PPW)], gt0)
    pltpu.sync_copy(whgt_hbm.at[pl.ds(gtbase + K, _PPW)], gt1)
    pltpu.sync_copy(reggt_hbm.at[pl.ds(gtbase, _PPW)], gt2)
    pltpu.sync_copy(reggt_hbm.at[pl.ds(gtbase + K, _PPW)], gt3)

    chan = b * (2 * HW)
    for j in range(_PPW // 16):
        v = ind_v[pl.ds(j * 16, 16)]
        idx_v[pl.ds(j * 16, 16)] = v + chan
        idx_v[pl.ds(_PPW + j * 16, 16)] = v + (chan + HW)

    pltpu.async_copy(wh_hbm.at[idx_v], whv, sem).wait()
    pltpu.async_copy(reg_hbm.at[idx_v], regv, sem).wait()

    acc_wh = jnp.zeros((16,), jnp.float32)
    acc_off = jnp.zeros((16,), jnp.float32)
    acc_m = jnp.zeros((16,), jnp.float32)
    for j in range(_PPW // 16):
        sl = pl.ds(j * 16, 16)
        sl1 = pl.ds(_PPW + j * 16, 16)
        m = mv[sl]
        acc_m = acc_m + m
        acc_wh = acc_wh + jnp.abs(whv[sl] * m - gt0[sl] * m) \
                        + jnp.abs(whv[sl1] * m - gt1[sl] * m)
        acc_off = acc_off + jnp.abs(regv[sl] * m - gt2[sl] * m) \
                          + jnp.abs(regv[sl1] * m - gt3[sl] * m)

    accv[...] = acc_wh
    pltpu.sync_copy(accv, out_wh.at[wid])
    accv[...] = acc_off
    pltpu.sync_copy(accv, out_off.at[wid])
    accv[...] = acc_m
    pltpu.sync_copy(accv, out_m.at[wid])




def kernel(hm_out, hm_gt, wh_out, wh_gt, reg_out, reg_gt, reg_mask, ind):
    sums = _focal(hm_out.reshape(_ROWS, HW), hm_gt.reshape(_ROWS, HW))
    pos_sum, neg_sum, num_pos = sums[0], sums[1], sums[2]

    wh_p, off_p, m_p = _sc_reg(
        wh_out.reshape(-1),
        reg_out.reshape(-1),
        jnp.transpose(wh_gt, (0, 2, 1)).reshape(-1),
        jnp.transpose(reg_gt, (0, 2, 1)).reshape(-1),
        reg_mask.reshape(-1),
        ind.reshape(-1),
    )

    denom = jnp.maximum(num_pos, 1.0)
    hm_loss = jnp.where(num_pos == 0, -neg_sum, -(pos_sum + neg_sum) / denom)
    msum = 2.0 * jnp.sum(m_p) + 0.0001
    wh_loss = jnp.sum(wh_p) / msum
    off_loss = jnp.sum(off_p) / msum
    loss = HM_W * hm_loss + WH_W * wh_loss + OFF_W * off_loss
    return (loss, hm_loss, wh_loss, off_loss)

# --- scband reference (transcript-rebuilt; emitter-appended) ---
"""Pipeline reference for scband-ctdet-loss-33432025432078 (READ-ONLY COPY).

The authoritative reference and input builder live on the scoring server;
editing this copy changes nothing except your own understanding.
"""

import jax, jax.numpy as jnp
import numpy as np

NUM_STACKS = 1
HM_W, WH_W, OFF_W = 1.0, 0.1, 1.0


def _sigmoid(x):
    return jnp.clip(jax.nn.sigmoid(x), 1e-4, 1.0 - 1e-4)


def _neg_loss(pred, gt):
    pos_inds = (gt == 1.0).astype(jnp.float32)
    neg_inds = (gt < 1.0).astype(jnp.float32)
    neg_weights = jnp.power(1.0 - gt, 4)
    pos_loss = jnp.log(pred) * jnp.power(1.0 - pred, 2) * pos_inds
    neg_loss = jnp.log(1.0 - pred) * jnp.power(pred, 2) * neg_weights * neg_inds
    num_pos = pos_inds.sum()
    pos_sum = pos_loss.sum()
    neg_sum = neg_loss.sum()
    denom = jnp.maximum(num_pos, 1.0)
    return jnp.where(num_pos == 0, -neg_sum, -(pos_sum + neg_sum) / denom)


def _transpose_and_gather_feat(output, ind):
    B, C, H, W = output.shape
    feat = jnp.transpose(output, (0, 2, 3, 1)).reshape(B, H * W, C)
    idx = jnp.broadcast_to(ind[:, :, None], (B, ind.shape[1], C))
    return jnp.take_along_axis(feat, idx, axis=1)


def _reg_l1(output, mask, ind, target):
    pred = _transpose_and_gather_feat(output, ind)
    m = jnp.broadcast_to(mask[:, :, None], pred.shape).astype(jnp.float32)
    loss = jnp.abs(pred * m - target * m).sum()
    return loss / (m.sum() + 0.0001)


def setup_inputs(seed: int = 0) -> dict:
    key = jax.random.key(seed)
    ks = jax.random.split(key, 8)
    B, C, H, W, K = 16, 80, 128, 128, 128
    return {
        'hm_out': jax.random.normal(ks[0], (B, C, H, W), dtype=jnp.float32),
        'hm_gt': jax.random.uniform(ks[1], (B, C, H, W), dtype=jnp.float32),
        'wh_out': jax.random.normal(ks[2], (B, 2, H, W), dtype=jnp.float32),
        'wh_gt': jax.random.uniform(ks[3], (B, K, 2), dtype=jnp.float32),
        'reg_out': jax.random.normal(ks[4], (B, 2, H, W), dtype=jnp.float32),
        'reg_gt': jax.random.uniform(ks[5], (B, K, 2), dtype=jnp.float32),
        'reg_mask': jnp.ones((B, K), dtype=jnp.float32),
        'ind': jax.random.randint(ks[6], (B, K), 0, H * W, dtype=jnp.int32),
    }


def reference(hm_out, hm_gt, wh_out, wh_gt, reg_out, reg_gt, reg_mask, ind):
    hm_loss, wh_loss, off_loss = 0.0, 0.0, 0.0
    for s in range(NUM_STACKS):
        pred_hm = _sigmoid(hm_out)
        hm_loss = hm_loss + _neg_loss(pred_hm, hm_gt) / NUM_STACKS
        wh_loss = wh_loss + _reg_l1(wh_out, reg_mask, ind, wh_gt) / NUM_STACKS
        off_loss = off_loss + _reg_l1(reg_out, reg_mask, ind, reg_gt) / NUM_STACKS
        loss = HM_W * hm_loss + WH_W * wh_loss + OFF_W * off_loss
    return (loss, hm_loss, wh_loss, off_loss)

if __name__ == "__main__":
    import jax
    _d = setup_inputs()
    print(jax.jit(kernel)(*tuple(_d.values())))

</pallas_src>

<mosaic_0001>
#map = affine_map<(d0, d1) -> (0)>
#map1 = affine_map<(d0, d1) -> (0, 0)>
module attributes {stable_mosaic.version = 14 : i64} {
  func.func @_sc_reg(%arg0: i32, %arg1: i32, %arg2: memref<524288xf32, #tpu.memory_space<hbm>>, %arg3: memref<524288xf32, #tpu.memory_space<hbm>>, %arg4: memref<4096xf32, #tpu.memory_space<hbm>>, %arg5: memref<4096xf32, #tpu.memory_space<hbm>>, %arg6: memref<2048xf32, #tpu.memory_space<hbm>>, %arg7: memref<2048xi32, #tpu.memory_space<hbm>>, %arg8: memref<32x16xf32, #tpu.memory_space<hbm>>, %arg9: memref<32x16xf32, #tpu.memory_space<hbm>>, %arg10: memref<32x16xf32, #tpu.memory_space<hbm>>, %arg11: memref<64xi32, #tpu.memory_space<vmem>>, %arg12: memref<128xi32, #tpu.memory_space<vmem>>, %arg13: memref<128xf32, #tpu.memory_space<vmem>>, %arg14: memref<128xf32, #tpu.memory_space<vmem>>, %arg15: memref<64xf32, #tpu.memory_space<vmem>>, %arg16: memref<64xf32, #tpu.memory_space<vmem>>, %arg17: memref<64xf32, #tpu.memory_space<vmem>>, %arg18: memref<64xf32, #tpu.memory_space<vmem>>, %arg19: memref<64xf32, #tpu.memory_space<vmem>>, %arg20: memref<16xf32, #tpu.memory_space<vmem>>, %arg21: memref<!tpu.dma_semaphore, #tpu.memory_space<semaphore_mem>>) attributes {dimension_semantics = [#tpu.dimension_semantics<core_parallel>, #tpu.dimension_semantics<subcore_parallel>], iteration_bounds = array<i64: 2, 16>, scalar_prefetch = 0 : i64, scratch_operands = 11 : i64, tpu.core_type = #tpu.core_type<sc_vector_subcore>, window_params = [{transform_indices = #map}, {transform_indices = #map}, {transform_indices = #map}, {transform_indices = #map}, {transform_indices = #map}, {transform_indices = #map}, {transform_indices = #map1}, {transform_indices = #map1}, {transform_indices = #map1}]} {
    %mul3A = arith.constant 2 : i32
    %mul3A_0 = arith.muli %arg1, %mul3A : i32
    %add3A = arith.addi %mul3A_0, %arg0 : i32
    %mul3A_1 = arith.constant 64 : i32
    %mul3A_2 = arith.muli %add3A, %mul3A_1 : i32
    %jit3A = arith.constant 2 : i32
    %div3A = arith.divsi %add3A, %jit3A : i32
    %sign3A = arith.constant 0 : i32
    %sign3A_3 = arith.cmpi sgt, %add3A, %sign3A : i32
    %sign3A_4 = arith.extui %sign3A_3 : i1 to i32
    %sign3A_5 = arith.constant 0 : i32
    %sign3A_6 = arith.cmpi slt, %add3A, %sign3A_5 : i32
    %sign3A_7 = arith.extui %sign3A_6 : i1 to i32
    %sign3A_8 = arith.subi %sign3A_4, %sign3A_7 : i32
    %sign3A_9 = arith.constant 0 : i32
    %sign3A_10 = arith.cmpi sgt, %jit3A, %sign3A_9 : i32
    %sign3A_11 = arith.extui %sign3A_10 : i1 to i32
    %sign3A_12 = arith.constant 0 : i32
    %sign3A_13 = arith.cmpi slt, %jit3A, %sign3A_12 : i32
    %sign3A_14 = arith.extui %sign3A_13 : i1 to i32
    %sign3A_15 = arith.subi %sign3A_11, %sign3A_14 : i32
    %ne3A = arith.cmpi ne, %sign3A_8, %sign3A_15 : i32
    %rem3A = arith.remsi %add3A, %jit3A : i32
    %ne3A_16 = arith.constant 0 : i32
    %ne3A_17 = arith.cmpi ne, %rem3A, %ne3A_16 : i32
    %and3A = arith.andi %ne3A, %ne3A_17 : i1
    %sub3A = arith.constant 1 : i32
    %sub3A_18 = arith.subi %div3A, %sub3A : i32
    %select_n3A = arith.select %and3A, %sub3A_18, %div3A : i32
    %jit3A_19 = arith.constant 2 : i32
    %eq3A = arith.constant 0 : i32
    %eq3A_20 = arith.cmpi eq, %jit3A_19, %eq3A : i32
    %jit3A_21 = arith.constant 1 : i32
    %select_n3A_22 = arith.select %eq3A_20, %jit3A_21, %jit3A_19 : i32
    %rem3A_23 = arith.remsi %add3A, %select_n3A_22 : i32
    %ne3A_24 = arith.constant 0 : i32
    %ne3A_25 = arith.cmpi ne, %rem3A_23, %ne3A_24 : i32
    %lt3A = arith.constant 0 : i32
    %lt3A_26 = arith.cmpi slt, %rem3A_23, %lt3A : i32
    %lt3A_27 = arith.constant 0 : i32
    %lt3A_28 = arith.cmpi slt, %select_n3A_22, %lt3A_27 : i32
    %ne3A_29 = arith.xori %lt3A_26, %lt3A_28 : i1
    %and3A_30 = arith.andi %ne3A_29, %ne3A_25 : i1
    %add3A_31 = arith.addi %rem3A_23, %select_n3A_22 : i32
    %select_n3A_32 = arith.select %and3A_30, %add3A_31, %rem3A_23 : i32
    %mul3A_33 = arith.constant 64 : i32
    %mul3A_34 = arith.muli %select_n3A_32, %mul3A_33 : i32
    "tpu.region"() ({
      %run_scoped3A = tpu.sem_alloc : memref<!tpu.dma_semaphore, #tpu.memory_space<semaphore_mem>>
      %dma_start3A_324 = tpu.memref_slice %arg7[%mul3A_2] : memref<2048xi32, #tpu.memory_space<hbm>> -> memref<64xi32, #tpu.memory_space<hbm>>
      %dma_start3A_325 = tpu.memref_slice %arg7[%mul3A_2] : memref<2048xi32, #tpu.memory_space<hbm>> -> memref<64xi32, #tpu.memory_space<hbm>>
      tpu.enqueue_dma source(%dma_start3A_325 : memref<64xi32, #tpu.memory_space<hbm>>) target(%arg11 : memref<64xi32, #tpu.memory_space<vmem>>) target_semaphore(%run_scoped3A : memref<!tpu.dma_semaphore, #tpu.memory_space<semaphore_mem>>)
      %dma_wait3A_326 = tpu.memref_slice %arg7[%mul3A_2] : memref<2048xi32, #tpu.memory_space<hbm>> -> memref<64xi32, #tpu.memory_space<hbm>>
      %dma_wait3A_327 = tpu.memref_slice %arg7[%mul3A_2] : memref<2048xi32, #tpu.memory_space<hbm>> -> memref<64xi32, #tpu.memory_space<hbm>>
      tpu.wait_dma2 semaphore(%run_scoped3A : memref<!tpu.dma_semaphore, #tpu.memory_space<semaphore_mem>>) src(%dma_wait3A_327 : memref<64xi32, #tpu.memory_space<hbm>>) dst(%arg11 : memref<64xi32, #tpu.memory_space<vmem>>)
      tpu.yield
    }) : () -> ()
    "tpu.region"() ({
      %run_scoped3A = tpu.sem_alloc : memref<!tpu.dma_semaphore, #tpu.memory_space<semaphore_mem>>
      %dma_start3A_324 = tpu.memref_slice %arg6[%mul3A_2] : memref<2048xf32, #tpu.memory_space<hbm>> -> memref<64xf32, #tpu.memory_space<hbm>>
      %dma_start3A_325 = tpu.memref_slice %arg6[%mul3A_2] : memref<2048xf32, #tpu.memory_space<hbm>> -> memref<64xf32, #tpu.memory_space<hbm>>
      tpu.enqueue_dma source(%dma_start3A_325 : memref<64xf32, #tpu.memory_space<hbm>>) target(%arg19 : memref<64xf32, #tpu.memory_space<vmem>>) target_semaphore(%run_scoped3A : memref<!tpu.dma_semaphore, #tpu.memory_space<semaphore_mem>>)
      %dma_wait3A_326 = tpu.memref_slice %arg6[%mul3A_2] : memref<2048xf32, #tpu.memory_space<hbm>> -> memref<64xf32, #tpu.memory_space<hbm>>
      %dma_wait3A_327 = tpu.memref_slice %arg6[%mul3A_2] : memref<2048xf32, #tpu.memory_space<hbm>> -> memref<64xf32, #tpu.memory_space<hbm>>
      tpu.wait_dma2 semaphore(%run_scoped3A : memref<!tpu.dma_semaphore, #tpu.memory_space<semaphore_mem>>) src(%dma_wait3A_327 : memref<64xf32, #tpu.memory_space<hbm>>) dst(%arg19 : memref<64xf32, #tpu.memory_space<vmem>>)
      tpu.yield
    }) : () -> ()
    %mul3A_35 = arith.constant 256 : i32
    %mul3A_36 = arith.muli %select_n3A, %mul3A_35 : i32
    %add3A_37 = arith.addi %mul3A_36, %mul3A_34 : i32
    "tpu.region"() ({
      %run_scoped3A = tpu.sem_alloc : memref<!tpu.dma_semaphore, #tpu.memory_space<semaphore_mem>>
      %dma_start3A_324 = tpu.memref_slice %arg4[%add3A_37] : memref<4096xf32, #tpu.memory_space<hbm>> -> memref<64xf32, #tpu.memory_space<hbm>>
      %dma_start3A_325 = tpu.memref_slice %arg4[%add3A_37] : memref<4096xf32, #tpu.memory_space<hbm>> -> memref<64xf32, #tpu.memory_space<hbm>>
      tpu.enqueue_dma source(%dma_start3A_325 : memref<64xf32, #tpu.memory_space<hbm>>) target(%arg15 : memref<64xf32, #tpu.memory_space<vmem>>) target_semaphore(%run_scoped3A : memref<!tpu.dma_semaphore, #tpu.memory_space<semaphore_mem>>)
      %dma_wait3A_326 = tpu.memref_slice %arg4[%add3A_37] : memref<4096xf32, #tpu.memory_space<hbm>> -> memref<64xf32, #tpu.memory_space<hbm>>
      %dma_wait3A_327 = tpu.memref_slice %arg4[%add3A_37] : memref<4096xf32, #tpu.memory_space<hbm>> -> memref<64xf32, #tpu.memory_space<hbm>>
      tpu.wait_dma2 semaphore(%run_scoped3A : memref<!tpu.dma_semaphore, #tpu.memory_space<semaphore_mem>>) src(%dma_wait3A_327 : memref<64xf32, #tpu.memory_space<hbm>>) dst(%arg15 : memref<64xf32, #tpu.memory_space<vmem>>)
      tpu.yield
    }) : () -> ()
    %add3A_38 = arith.constant 128 : i32
    %add3A_39 = arith.addi %add3A_37, %add3A_38 : i32
    "tpu.region"() ({
      %run_scoped3A = tpu.sem_alloc : memref<!tpu.dma_semaphore, #tpu.memory_space<semaphore_mem>>
      %dma_start3A_324 = tpu.memref_slice %arg4[%add3A_39] : memref<4096xf32, #tpu.memory_space<hbm>> -> memref<64xf32, #tpu.memory_space<hbm>>
      %dma_start3A_325 = tpu.memref_slice %arg4[%add3A_39] : memref<4096xf32, #tpu.memory_space<hbm>> -> memref<64xf32, #tpu.memory_space<hbm>>
      tpu.enqueue_dma source(%dma_start3A_325 : memref<64xf32, #tpu.memory_space<hbm>>) target(%arg16 : memref<64xf32, #tpu.memory_space<vmem>>) target_semaphore(%run_scoped3A : memref<!tpu.dma_semaphore, #tpu.memory_space<semaphore_mem>>)
      %dma_wait3A_326 = tpu.memref_slice %arg4[%add3A_39] : memref<4096xf32, #tpu.memory_space<hbm>> -> memref<64xf32, #tpu.memory_space<hbm>>
      %dma_wait3A_327 = tpu.memref_slice %arg4[%add3A_39] : memref<4096xf32, #tpu.memory_space<hbm>> -> memref<64xf32, #tpu.memory_space<hbm>>
      tpu.wait_dma2 semaphore(%run_scoped3A : memref<!tpu.dma_semaphore, #tpu.memory_space<semaphore_mem>>) src(%dma_wait3A_327 : memref<64xf32, #tpu.memory_space<hbm>>) dst(%arg16 : memref<64xf32, #tpu.memory_space<vmem>>)
      tpu.yield
    }) : () -> ()
    "tpu.region"() ({
      %run_scoped3A = tpu.sem_alloc : memref<!tpu.dma_semaphore, #tpu.memory_space<semaphore_mem>>
      %dma_start3A_324 = tpu.memref_slice %arg5[%add3A_37] : memref<4096xf32, #tpu.memory_space<hbm>> -> memref<64xf32, #tpu.memory_space<hbm>>
      %dma_start3A_325 = tpu.memref_slice %arg5[%add3A_37] : memref<4096xf32, #tpu.memory_space<hbm>> -> memref<64xf32, #tpu.memory_space<hbm>>
      tpu.enqueue_dma source(%dma_start3A_325 : memref<64xf32, #tpu.memory_space<hbm>>) target(%arg17 : memref<64xf32, #tpu.memory_space<vmem>>) target_semaphore(%run_scoped3A : memref<!tpu.dma_semaphore, #tpu.memory_space<semaphore_mem>>)
      %dma_wait3A_326 = tpu.memref_slice %arg5[%add3A_37] : memref<4096xf32, #tpu.memory_space<hbm>> -> memref<64xf32, #tpu.memory_space<hbm>>
      %dma_wait3A_327 = tpu.memref_slice %arg5[%add3A_37] : memref<4096xf32, #tpu.memory_space<hbm>> -> memref<64xf32, #tpu.memory_space<hbm>>
      tpu.wait_dma2 semaphore(%run_scoped3A : memref<!tpu.dma_semaphore, #tpu.memory_space<semaphore_mem>>) src(%dma_wait3A_327 : memref<64xf32, #tpu.memory_space<hbm>>) dst(%arg17 : memref<64xf32, #tpu.memory_space<vmem>>)
      tpu.yield
    }) : () -> ()
    %add3A_40 = arith.constant 128 : i32
    %add3A_41 = arith.addi %add3A_37, %add3A_40 : i32
    "tpu.region"() ({
      %run_scoped3A = tpu.sem_alloc : memref<!tpu.dma_semaphore, #tpu.memory_space<semaphore_mem>>
      %dma_start3A_324 = tpu.memref_slice %arg5[%add3A_41] : memref<4096xf32, #tpu.memory_space<hbm>> -> memref<64xf32, #tpu.memory_space<hbm>>
      %dma_start3A_325 = tpu.memref_slice %arg5[%add3A_41] : memref<4096xf32, #tpu.memory_space<hbm>> -> memref<64xf32, #tpu.memory_space<hbm>>
      tpu.enqueue_dma source(%dma_start3A_325 : memref<64xf32, #tpu.memory_space<hbm>>) target(%arg18 : memref<64xf32, #tpu.memory_space<vmem>>) target_semaphore(%run_scoped3A : memref<!tpu.dma_semaphore, #tpu.memory_space<semaphore_mem>>)
      %dma_wait3A_326 = tpu.memref_slice %arg5[%add3A_41] : memref<4096xf32, #tpu.memory_space<hbm>> -> memref<64xf32, #tpu.memory_space<hbm>>
      %dma_wait3A_327 = tpu.memref_slice %arg5[%add3A_41] : memref<4096xf32, #tpu.memory_space<hbm>> -> memref<64xf32, #tpu.memory_space<hbm>>
      tpu.wait_dma2 semaphore(%run_scoped3A : memref<!tpu.dma_semaphore, #tpu.memory_space<semaphore_mem>>) src(%dma_wait3A_327 : memref<64xf32, #tpu.memory_space<hbm>>) dst(%arg18 : memref<64xf32, #tpu.memory_space<vmem>>)
      tpu.yield
    }) : () -> ()
    %mul3A_42 = arith.constant 32768 : i32
    %mul3A_43 = arith.muli %select_n3A, %mul3A_42 : i32
    %get3A = arith.constant 0 : index
    %get3A_44 = tpu.vector_load %arg11[%get3A] {strides = array<i32>} : memref<64xi32, #tpu.memory_space<vmem>>, vector<16xi32>,
    %get3A_45 = vector.shape_cast %get3A_44 : vector<16xi32> to vector<16xi32>
    %add3A_46 = vector.broadcast %mul3A_43 : i32 to vector<16xi32>
    %add3A_47 = arith.addi %get3A_45, %add3A_46 : vector<16xi32>
    %swap3A = arith.constant 0 : index
    %swap3A_48 = tpu.vector_load %arg12[%swap3A] {strides = array<i32>} : memref<128xi32, #tpu.memory_space<vmem>>, vector<16xi32>,
    %swap3A_49 = vector.shape_cast %swap3A_48 : vector<16xi32> to vector<16xi32>
    %swap3A_50 = vector.shape_cast %add3A_47 : vector<16xi32> to vector<16xi32>
    tpu.vector_store %arg12[%swap3A], %swap3A_50 {strides = array<i32>} : memref<128xi32, #tpu.memory_space<vmem>>, vector<16xi32>,
    %add3A_51 = arith.constant 16384 : i32
    %add3A_52 = arith.addi %mul3A_43, %add3A_51 : i32
    %add3A_53 = vector.broadcast %add3A_52 : i32 to vector<16xi32>
    %add3A_54 = arith.addi %get3A_45, %add3A_53 : vector<16xi32>
    %swap3A_55 = arith.constant 64 : index
    %swap3A_56 = tpu.vector_load %arg12[%swap3A_55] {strides = array<i32>} : memref<128xi32, #tpu.memory_space<vmem>>, vector<16xi32>,
    %swap3A_57 = vector.shape_cast %swap3A_56 : vector<16xi32> to vector<16xi32>
    %swap3A_58 = vector.shape_cast %add3A_54 : vector<16xi32> to vector<16xi32>
    tpu.vector_store %arg12[%swap3A_55], %swap3A_58 {strides = array<i32>} : memref<128xi32, #tpu.memory_space<vmem>>, vector<16xi32>,
    %get3A_59 = arith.constant 16 : index
    %get3A_60 = tpu.vector_load %arg11[%get3A_59] {strides = array<i32>} : memref<64xi32, #tpu.memory_space<vmem>>, vector<16xi32>,
    %get3A_61 = vector.shape_cast %get3A_60 : vector<16xi32> to vector<16xi32>
    %add3A_62 = vector.broadcast %mul3A_43 : i32 to vector<16xi32>
    %add3A_63 = arith.addi %get3A_61, %add3A_62 : vector<16xi32>
    %swap3A_64 = arith.constant 16 : index
    %swap3A_65 = tpu.vector_load %arg12[%swap3A_64] {strides = array<i32>} : memref<128xi32, #tpu.memory_space<vmem>>, vector<16xi32>,
    %swap3A_66 = vector.shape_cast %swap3A_65 : vector<16xi32> to vector<16xi32>
    %swap3A_67 = vector.shape_cast %add3A_63 : vector<16xi32> to vector<16xi32>
    tpu.vector_store %arg12[%swap3A_64], %swap3A_67 {strides = array<i32>} : memref<128xi32, #tpu.memory_space<vmem>>, vector<16xi32>,
    %add3A_68 = arith.constant 16384 : i32
    %add3A_69 = arith.addi %mul3A_43, %add3A_68 : i32
    %add3A_70 = vector.broadcast %add3A_69 : i32 to vector<16xi32>
    %add3A_71 = arith.addi %get3A_61, %add3A_70 : vector<16xi32>
    %swap3A_72 = arith.constant 80 : index
    %swap3A_73 = tpu.vector_load %arg12[%swap3A_72] {strides = array<i32>} : memref<128xi32, #tpu.memory_space<vmem>>, vector<16xi32>,
    %swap3A_74 = vector.shape_cast %swap3A_73 : vector<16xi32> to vector<16xi32>
    %swap3A_75 = vector.shape_cast %add3A_71 : vector<16xi32> to vector<16xi32>
    tpu.vector_store %arg12[%swap3A_72], %swap3A_75 {strides = array<i32>} : memref<128xi32, #tpu.memory_space<vmem>>, vector<16xi32>,
    %get3A_76 = arith.constant 32 : index
    %get3A_77 = tpu.vector_load %arg11[%get3A_76] {strides = array<i32>} : memref<64xi32, #tpu.memory_space<vmem>>, vector<16xi32>,
    %get3A_78 = vector.shape_cast %get3A_77 : vector<16xi32> to vector<16xi32>
    %add3A_79 = vector.broadcast %mul3A_43 : i32 to vector<16xi32>
    %add3A_80 = arith.addi %get3A_78, %add3A_79 : vector<16xi32>
    %swap3A_81 = arith.constant 32 : index
    %swap3A_82 = tpu.vector_load %arg12[%swap3A_81] {strides = array<i32>} : memref<128xi32, #tpu.memory_space<vmem>>, vector<16xi32>,
    %swap3A_83 = vector.shape_cast %swap3A_82 : vector<16xi32> to vector<16xi32>
    %swap3A_84 = vector.shape_cast %add3A_80 : vector<16xi32> to vector<16xi32>
    tpu.vector_store %arg12[%swap3A_81], %swap3A_84 {strides = array<i32>} : memref<128xi32, #tpu.memory_space<vmem>>, vector<16xi32>,
    %add3A_85 = arith.constant 16384 : i32
    %add3A_86 = arith.addi %mul3A_43, %add3A_85 : i32
    %add3A_87 = vector.broadcast %add3A_86 : i32 to vector<16xi32>
    %add3A_88 = arith.addi %get3A_78, %add3A_87 : vector<16xi32>
    %swap3A_89 = arith.constant 96 : index
    %swap3A_90 = tpu.vector_load %arg12[%swap3A_89] {strides = array<i32>} : memref<128xi32, #tpu.memory_space<vmem>>, vector<16xi32>,
    %swap3A_91 = vector.shape_cast %swap3A_90 : vector<16xi32> to vector<16xi32>
    %swap3A_92 = vector.shape_cast %add3A_88 : vector<16xi32> to vector<16xi32>
    tpu.vector_store %arg12[%swap3A_89], %swap3A_92 {strides = array<i32>} : memref<128xi32, #tpu.memory_space<vmem>>, vector<16xi32>,
    %get3A_93 = arith.constant 48 : index
    %get3A_94 = tpu.vector_load %arg11[%get3A_93] {strides = array<i32>} : memref<64xi32, #tpu.memory_space<vmem>>, vector<16xi32>,
    %get3A_95 = vector.shape_cast %get3A_94 : vector<16xi32> to vector<16xi32>
    %add3A_96 = vector.broadcast %mul3A_43 : i32 to vector<16xi32>
    %add3A_97 = arith.addi %get3A_95, %add3A_96 : vector<16xi32>
    %swap3A_98 = arith.constant 48 : index
    %swap3A_99 = tpu.vector_load %arg12[%swap3A_98] {strides = array<i32>} : memref<128xi32, #tpu.memory_space<vmem>>, vector<16xi32>,
    %swap3A_100 = vector.shape_cast %swap3A_99 : vector<16xi32> to vector<16xi32>
    %swap3A_101 = vector.shape_cast %add3A_97 : vector<16xi32> to vector<16xi32>
    tpu.vector_store %arg12[%swap3A_98], %swap3A_101 {strides = array<i32>} : memref<128xi32, #tpu.memory_space<vmem>>, vector<16xi32>,
    %add3A_102 = arith.constant 16384 : i32
    %add3A_103 = arith.addi %mul3A_43, %add3A_102 : i32
    %add3A_104 = vector.broadcast %add3A_103 : i32 to vector<16xi32>
    %add3A_105 = arith.addi %get3A_95, %add3A_104 : vector<16xi32>
    %swap3A_106 = arith.constant 112 : index
    %swap3A_107 = tpu.vector_load %arg12[%swap3A_106] {strides = array<i32>} : memref<128xi32, #tpu.memory_space<vmem>>, vector<16xi32>,
    %swap3A_108 = vector.shape_cast %swap3A_107 : vector<16xi32> to vector<16xi32>
    %swap3A_109 = vector.shape_cast %add3A_105 : vector<16xi32> to vector<16xi32>
    tpu.vector_store %arg12[%swap3A_106], %swap3A_109 {strides = array<i32>} : memref<128xi32, #tpu.memory_space<vmem>>, vector<16xi32>,
    %dma_start3A = arith.constant 0 : i32
    %dma_start3A_110 = tpu.memref_slice %arg2[%dma_start3A] : memref<524288xf32, #tpu.memory_space<hbm>> -> memref<524288xf32, #tpu.memory_space<hbm>>
    tpu.enqueue_indirect_dma source(%dma_start3A_110 : memref<524288xf32, #tpu.memory_space<hbm>>) target(%arg13 : memref<128xf32, #tpu.memory_space<vmem>>) offsets(%arg12 : memref<128xi32, #tpu.memory_space<vmem>>) semaphore(%arg21 : memref<!tpu.dma_semaphore, #tpu.memory_space<semaphore_mem>>)
    %dma_wait3A = arith.constant 0 : i32
    %dma_wait3A_111 = tpu.memref_slice %arg2[%dma_wait3A] : memref<524288xf32, #tpu.memory_space<hbm>> -> memref<524288xf32, #tpu.memory_space<hbm>>
    tpu.wait_indirect_dma semaphore(%arg21 : memref<!tpu.dma_semaphore, #tpu.memory_space<semaphore_mem>>) src(%dma_wait3A_111 : memref<524288xf32, #tpu.memory_space<hbm>>) dst(%arg13 : memref<128xf32, #tpu.memory_space<vmem>>)
    %dma_start3A_112 = arith.constant 0 : i32
    %dma_start3A_113 = tpu.memref_slice %arg3[%dma_start3A_112] : memref<524288xf32, #tpu.memory_space<hbm>> -> memref<524288xf32, #tpu.memory_space<hbm>>
    tpu.enqueue_indirect_dma source(%dma_start3A_113 : memref<524288xf32, #tpu.memory_space<hbm>>) target(%arg14 : memref<128xf32, #tpu.memory_space<vmem>>) offsets(%arg12 : memref<128xi32, #tpu.memory_space<vmem>>) semaphore(%arg21 : memref<!tpu.dma_semaphore, #tpu.memory_space<semaphore_mem>>)
    %dma_wait3A_114 = arith.constant 0 : i32
    %dma_wait3A_115 = tpu.memref_slice %arg3[%dma_wait3A_114] : memref<524288xf32, #tpu.memory_space<hbm>> -> memref<524288xf32, #tpu.memory_space<hbm>>
    tpu.wait_indirect_dma semaphore(%arg21 : memref<!tpu.dma_semaphore, #tpu.memory_space<semaphore_mem>>) src(%dma_wait3A_115 : memref<524288xf32, #tpu.memory_space<hbm>>) dst(%arg14 : memref<128xf32, #tpu.memory_space<vmem>>)
    %broadcast_in_dim3A = arith.constant 0.000000e+00 : f32
    %broadcast_in_dim3A_116 = vector.broadcast %broadcast_in_dim3A : f32 to vector<16xf32>
    %broadcast_in_dim3A_117 = arith.constant 0.000000e+00 : f32
    %broadcast_in_dim3A_118 = vector.broadcast %broadcast_in_dim3A_117 : f32 to vector<16xf32>
    %broadcast_in_dim3A_119 = arith.constant 0.000000e+00 : f32
    %broadcast_in_dim3A_120 = vector.broadcast %broadcast_in_dim3A_119 : f32 to vector<16xf32>
    %get3A_121 = arith.constant 0 : index
    %get3A_122 = tpu.vector_load %arg19[%get3A_121] {strides = array<i32>} : memref<64xf32, #tpu.memory_space<vmem>>, vector<16xf32>,
    %get3A_123 = vector.shape_cast %get3A_122 : vector<16xf32> to vector<16xf32>
    %add3A_124 = arith.addf %broadcast_in_dim3A_120, %get3A_123 : vector<16xf32>
    %get3A_125 = arith.constant 0 : index
    %get3A_126 = tpu.vector_load %arg13[%get3A_125] {strides = array<i32>} : memref<128xf32, #tpu.memory_space<vmem>>, vector<16xf32>,
    %get3A_127 = vector.shape_cast %get3A_126 : vector<16xf32> to vector<16xf32>
    %mul3A_128 = arith.mulf %get3A_127, %get3A_123 : vector<16xf32>
    %get3A_129 = arith.constant 0 : index
    %get3A_130 = tpu.vector_load %arg15[%get3A_129] {strides = array<i32>} : memref<64xf32, #tpu.memory_space<vmem>>, vector<16xf32>,
    %get3A_131 = vector.shape_cast %get3A_130 : vector<16xf32> to vector<16xf32>
    %mul3A_132 = arith.mulf %get3A_131, %get3A_123 : vector<16xf32>
    %sub3A_133 = arith.subf %mul3A_128, %mul3A_132 : vector<16xf32>
    %abs3A = math.absf %sub3A_133 : vector<16xf32>
    %add3A_134 = arith.addf %broadcast_in_dim3A_116, %abs3A : vector<16xf32>
    %get3A_135 = arith.constant 64 : index
    %get3A_136 = tpu.vector_load %arg13[%get3A_135] {strides = array<i32>} : memref<128xf32, #tpu.memory_space<vmem>>, vector<16xf32>,
    %get3A_137 = vector.shape_cast %get3A_136 : vector<16xf32> to vector<16xf32>
    %mul3A_138 = arith.mulf %get3A_137, %get3A_123 : vector<16xf32>
    %get3A_139 = arith.constant 0 : index
    %get3A_140 = tpu.vector_load %arg16[%get3A_139] {strides = array<i32>} : memref<64xf32, #tpu.memory_space<vmem>>, vector<16xf32>,
    %get3A_141 = vector.shape_cast %get3A_140 : vector<16xf32> to vector<16xf32>
    %mul3A_142 = arith.mulf %get3A_141, %get3A_123 : vector<16xf32>
    %sub3A_143 = arith.subf %mul3A_138, %mul3A_142 : vector<16xf32>
    %abs3A_144 = math.absf %sub3A_143 : vector<16xf32>
    %add3A_145 = arith.addf %add3A_134, %abs3A_144 : vector<16xf32>
    %get3A_146 = arith.constant 0 : index
    %get3A_147 = tpu.vector_load %arg14[%get3A_146] {strides = array<i32>} : memref<128xf32, #tpu.memory_space<vmem>>, vector<16xf32>,
    %get3A_148 = vector.shape_cast %get3A_147 : vector<16xf32> to vector<16xf32>
    %mul3A_149 = arith.mulf %get3A_148, %get3A_123 : vector<16xf32>
    %get3A_150 = arith.constant 0 : index
    %get3A_151 = tpu.vector_load %arg17[%get3A_150] {strides = array<i32>} : memref<64xf32, #tpu.memory_space<vmem>>, vector<16xf32>,
    %get3A_152 = vector.shape_cast %get3A_151 : vector<16xf32> to vector<16xf32>
    %mul3A_153 = arith.mulf %get3A_152, %get3A_123 : vector<16xf32>
    %sub3A_154 = arith.subf %mul3A_149, %mul3A_153 : vector<16xf32>
    %abs3A_155 = math.absf %sub3A_154 : vector<16xf32>
    %add3A_156 = arith.addf %broadcast_in_dim3A_118, %abs3A_155 : vector<16xf32>
    %get3A_157 = arith.constant 64 : index
    %get3A_158 = tpu.vector_load %arg14[%get3A_157] {strides = array<i32>} : memref<128xf32, #tpu.memory_space<vmem>>, vector<16xf32>,
    %get3A_159 = vector.shape_cast %get3A_158 : vector<16xf32> to vector<16xf32>
    %mul3A_160 = arith.mulf %get3A_159, %get3A_123 : vector<16xf32>
    %get3A_161 = arith.constant 0 : index
    %get3A_162 = tpu.vector_load %arg18[%get3A_161] {strides = array<i32>} : memref<64xf32, #tpu.memory_space<vmem>>, vector<16xf32>,
    %get3A_163 = vector.shape_cast %get3A_162 : vector<16xf32> to vector<16xf32>
    %mul3A_164 = arith.mulf %get3A_163, %get3A_123 : vector<16xf32>
    %sub3A_165 = arith.subf %mul3A_160, %mul3A_164 : vector<16xf32>
    %abs3A_166 = math.absf %sub3A_165 : vector<16xf32>
    %add3A_167 = arith.addf %add3A_156, %abs3A_166 : vector<16xf32>
    %get3A_168 = arith.constant 16 : index
    %get3A_169 = tpu.vector_load %arg19[%get3A_168] {strides = array<i32>} : memref<64xf32, #tpu.memory_space<vmem>>, vector<16xf32>,
    %get3A_170 = vector.shape_cast %get3A_169 : vector<16xf32> to vector<16xf32>
    %add3A_171 = arith.addf %add3A_124, %get3A_170 : vector<16xf32>
    %get3A_172 = arith.constant 16 : index
    %get3A_173 = tpu.vector_load %arg13[%get3A_172] {strides = array<i32>} : memref<128xf32, #tpu.memory_space<vmem>>, vector<16xf32>,
    %get3A_174 = vector.shape_cast %get3A_173 : vector<16xf32> to vector<16xf32>
    %mul3A_175 = arith.mulf %get3A_174, %get3A_170 : vector<16xf32>
    %get3A_176 = arith.constant 16 : index
    %get3A_177 = tpu.vector_load %arg15[%get3A_176] {strides = array<i32>} : memref<64xf32, #tpu.memory_space<vmem>>, vector<16xf32>,
    %get3A_178 = vector.shape_cast %get3A_177 : vector<16xf32> to vector<16xf32>
    %mul3A_179 = arith.mulf %get3A_178, %get3A_170 : vector<16xf32>
    %sub3A_180 = arith.subf %mul3A_175, %mul3A_179 : vector<16xf32>
    %abs3A_181 = math.absf %sub3A_180 : vector<16xf32>
    %add3A_182 = arith.addf %add3A_145, %abs3A_181 : vector<16xf32>
    %get3A_183 = arith.constant 80 : index
    %get3A_184 = tpu.vector_load %arg13[%get3A_183] {strides = array<i32>} : memref<128xf32, #tpu.memory_space<vmem>>, vector<16xf32>,
    %get3A_185 = vector.shape_cast %get3A_184 : vector<16xf32> to vector<16xf32>
    %mul3A_186 = arith.mulf %get3A_185, %get3A_170 : vector<16xf32>
    %get3A_187 = arith.constant 16 : index
    %get3A_188 = tpu.vector_load %arg16[%get3A_187] {strides = array<i32>} : memref<64xf32, #tpu.memory_space<vmem>>, vector<16xf32>,
    %get3A_189 = vector.shape_cast %get3A_188 : vector<16xf32> to vector<16xf32>
    %mul3A_190 = arith.mulf %get3A_189, %get3A_170 : vector<16xf32>
    %sub3A_191 = arith.subf %mul3A_186, %mul3A_190 : vector<16xf32>
    %abs3A_192 = math.absf %sub3A_191 : vector<16xf32>
    %add3A_193 = arith.addf %add3A_182, %abs3A_192 : vector<16xf32>
    %get3A_194 = arith.constant 16 : index
    %get3A_195 = tpu.vector_load %arg14[%get3A_194] {strides = array<i32>} : memref<128xf32, #tpu.memory_space<vmem>>, vector<16xf32>,
    %get3A_196 = vector.shape_cast %get3A_195 : vector<16xf32> to vector<16xf32>
    %mul3A_197 = arith.mulf %get3A_196, %get3A_170 : vector<16xf32>
    %get3A_198 = arith.constant 16 : index
    %get3A_199 = tpu.vector_load %arg17[%get3A_198] {strides = array<i32>} : memref<64xf32, #tpu.memory_space<vmem>>, vector<16xf32>,
    %get3A_200 = vector.shape_cast %get3A_199 : vector<16xf32> to vector<16xf32>
    %mul3A_201 = arith.mulf %get3A_200, %get3A_170 : vector<16xf32>
    %sub3A_202 = arith.subf %mul3A_197, %mul3A_201 : vector<16xf32>
    %abs3A_203 = math.absf %sub3A_202 : vector<16xf32>
    %add3A_204 = arith.addf %add3A_167, %abs3A_203 : vector<16xf32>
    %get3A_205 = arith.constant 80 : index
    %get3A_206 = tpu.vector_load %arg14[%get3A_205] {strides = array<i32>} : memref<128xf32, #tpu.memory_space<vmem>>, vector<16xf32>,
    %get3A_207 = vector.shape_cast %get3A_206 : vector<16xf32> to vector<16xf32>
    %mul3A_208 = arith.mulf %get3A_207, %get3A_170 : vector<16xf32>
    %get3A_209 = arith.constant 16 : index
    %get3A_210 = tpu.vector_load %arg18[%get3A_209] {strides = array<i32>} : memref<64xf32, #tpu.memory_space<vmem>>, vector<16xf32>,
    %get3A_211 = vector.shape_cast %get3A_210 : vector<16xf32> to vector<16xf32>
    %mul3A_212 = arith.mulf %get3A_211, %get3A_170 : vector<16xf32>
    %sub3A_213 = arith.subf %mul3A_208, %mul3A_212 : vector<16xf32>
    %abs3A_214 = math.absf %sub3A_213 : vector<16xf32>
    %add3A_215 = arith.addf %add3A_204, %abs3A_214 : vector<16xf32>
    %get3A_216 = arith.constant 32 : index
    %get3A_217 = tpu.vector_load %arg19[%get3A_216] {strides = array<i32>} : memref<64xf32, #tpu.memory_space<vmem>>, vector<16xf32>,
    %get3A_218 = vector.shape_cast %get3A_217 : vector<16xf32> to vector<16xf32>
    %add3A_219 = arith.addf %add3A_171, %get3A_218 : vector<16xf32>
    %get3A_220 = arith.constant 32 : index
    %get3A_221 = tpu.vector_load %arg13[%get3A_220] {strides = array<i32>} : memref<128xf32, #tpu.memory_space<vmem>>, vector<16xf32>,
    %get3A_222 = vector.shape_cast %get3A_221 : vector<16xf32> to vector<16xf32>
    %mul3A_223 = arith.mulf %get3A_222, %get3A_218 : vector<16xf32>
    %get3A_224 = arith.constant 32 : index
    %get3A_225 = tpu.vector_load %arg15[%get3A_224] {strides = array<i32>} : memref<64xf32, #tpu.memory_space<vmem>>, vector<16xf32>,
    %get3A_226 = vector.shape_cast %get3A_225 : vector<16xf32> to vector<16xf32>
    %mul3A_227 = arith.mulf %get3A_226, %get3A_218 : vector<16xf32>
    %sub3A_228 = arith.subf %mul3A_223, %mul3A_227 : vector<16xf32>
    %abs3A_229 = math.absf %sub3A_228 : vector<16xf32>
    %add3A_230 = arith.addf %add3A_193, %abs3A_229 : vector<16xf32>
    %get3A_231 = arith.constant 96 : index
    %get3A_232 = tpu.vector_load %arg13[%get3A_231] {strides = array<i32>} : memref<128xf32, #tpu.memory_space<vmem>>, vector<16xf32>,
    %get3A_233 = vector.shape_cast %get3A_232 : vector<16xf32> to vector<16xf32>
    %mul3A_234 = arith.mulf %get3A_233, %get3A_218 : vector<16xf32>
    %get3A_235 = arith.constant 32 : index
    %get3A_236 = tpu.vector_load %arg16[%get3A_235] {strides = array<i32>} : memref<64xf32, #tpu.memory_space<vmem>>, vector<16xf32>,
    %get3A_237 = vector.shape_cast %get3A_236 : vector<16xf32> to vector<16xf32>
    %mul3A_238 = arith.mulf %get3A_237, %get3A_218 : vector<16xf32>
    %sub3A_239 = arith.subf %mul3A_234, %mul3A_238 : vector<16xf32>
    %abs3A_240 = math.absf %sub3A_239 : vector<16xf32>
    %add3A_241 = arith.addf %add3A_230, %abs3A_240 : vector<16xf32>
    %get3A_242 = arith.constant 32 : index
    %get3A_243 = tpu.vector_load %arg14[%get3A_242] {strides = array<i32>} : memref<128xf32, #tpu.memory_space<vmem>>, vector<16xf32>,
    %get3A_244 = vector.shape_cast %get3A_243 : vector<16xf32> to vector<16xf32>
    %mul3A_245 = arith.mulf %get3A_244, %get3A_218 : vector<16xf32>
    %get3A_246 = arith.constant 32 : index
    %get3A_247 = tpu.vector_load %arg17[%get3A_246] {strides = array<i32>} : memref<64xf32, #tpu.memory_space<vmem>>, vector<16xf32>,
    %get3A_248 = vector.shape_cast %get3A_247 : vector<16xf32> to vector<16xf32>
    %mul3A_249 = arith.mulf %get3A_248, %get3A_218 : vector<16xf32>
    %sub3A_250 = arith.subf %mul3A_245, %mul3A_249 : vector<16xf32>
    %abs3A_251 = math.absf %sub3A_250 : vector<16xf32>
    %add3A_252 = arith.addf %add3A_215, %abs3A_251 : vector<16xf32>
    %get3A_253 = arith.constant 96 : index
    %get3A_254 = tpu.vector_load %arg14[%get3A_253] {strides = array<i32>} : memref<128xf32, #tpu.memory_space<vmem>>, vector<16xf32>,
    %get3A_255 = vector.shape_cast %get3A_254 : vector<16xf32> to vector<16xf32>
    %mul3A_256 = arith.mulf %get3A_255, %get3A_218 : vector<16xf32>
    %get3A_257 = arith.constant 32 : index
    %get3A_258 = tpu.vector_load %arg18[%get3A_257] {strides = array<i32>} : memref<64xf32, #tpu.memory_space<vmem>>, vector<16xf32>,
    %get3A_259 = vector.shape_cast %get3A_258 : vector<16xf32> to vector<16xf32>
    %mul3A_260 = arith.mulf %get3A_259, %get3A_218 : vector<16xf32>
    %sub3A_261 = arith.subf %mul3A_256, %mul3A_260 : vector<16xf32>
    %abs3A_262 = math.absf %sub3A_261 : vector<16xf32>
    %add3A_263 = arith.addf %add3A_252, %abs3A_262 : vector<16xf32>
    %get3A_264 = arith.constant 48 : index
    %get3A_265 = tpu.vector_load %arg19[%get3A_264] {strides = array<i32>} : memref<64xf32, #tpu.memory_space<vmem>>, vector<16xf32>,
    %get3A_266 = vector.shape_cast %get3A_265 : vector<16xf32> to vector<16xf32>
    %add3A_267 = arith.addf %add3A_219, %get3A_266 : vector<16xf32>
    %get3A_268 = arith.constant 48 : index
    %get3A_269 = tpu.vector_load %arg13[%get3A_268] {strides = array<i32>} : memref<128xf32, #tpu.memory_space<vmem>>, vector<16xf32>,
    %get3A_270 = vector.shape_cast %get3A_269 : vector<16xf32> to vector<16xf32>
    %mul3A_271 = arith.mulf %get3A_270, %get3A_266 : vector<16xf32>
    %get3A_272 = arith.constant 48 : index
    %get3A_273 = tpu.vector_load %arg15[%get3A_272] {strides = array<i32>} : memref<64xf32, #tpu.memory_space<vmem>>, vector<16xf32>,
    %get3A_274 = vector.shape_cast %get3A_273 : vector<16xf32> to vector<16xf32>
    %mul3A_275 = arith.mulf %get3A_274, %get3A_266 : vector<16xf32>
    %sub3A_276 = arith.subf %mul3A_271, %mul3A_275 : vector<16xf32>
    %abs3A_277 = math.absf %sub3A_276 : vector<16xf32>
    %add3A_278 = arith.addf %add3A_241, %abs3A_277 : vector<16xf32>
    %get3A_279 = arith.constant 112 : index
    %get3A_280 = tpu.vector_load %arg13[%get3A_279] {strides = array<i32>} : memref<128xf32, #tpu.memory_space<vmem>>, vector<16xf32>,
    %get3A_281 = vector.shape_cast %get3A_280 : vector<16xf32> to vector<16xf32>
    %mul3A_282 = arith.mulf %get3A_281, %get3A_266 : vector<16xf32>
    %get3A_283 = arith.constant 48 : index
    %get3A_284 = tpu.vector_load %arg16[%get3A_283] {strides = array<i32>} : memref<64xf32, #tpu.memory_space<vmem>>, vector<16xf32>,
    %get3A_285 = vector.shape_cast %get3A_284 : vector<16xf32> to vector<16xf32>
    %mul3A_286 = arith.mulf %get3A_285, %get3A_266 : vector<16xf32>
    %sub3A_287 = arith.subf %mul3A_282, %mul3A_286 : vector<16xf32>
    %abs3A_288 = math.absf %sub3A_287 : vector<16xf32>
    %add3A_289 = arith.addf %add3A_278, %abs3A_288 : vector<16xf32>
    %get3A_290 = arith.constant 48 : index
    %get3A_291 = tpu.vector_load %arg14[%get3A_290] {strides = array<i32>} : memref<128xf32, #tpu.memory_space<vmem>>, vector<16xf32>,
    %get3A_292 = vector.shape_cast %get3A_291 : vector<16xf32> to vector<16xf32>
    %mul3A_293 = arith.mulf %get3A_292, %get3A_266 : vector<16xf32>
    %get3A_294 = arith.constant 48 : index
    %get3A_295 = tpu.vector_load %arg17[%get3A_294] {strides = array<i32>} : memref<64xf32, #tpu.memory_space<vmem>>, vector<16xf32>,
    %get3A_296 = vector.shape_cast %get3A_295 : vector<16xf32> to vector<16xf32>
    %mul3A_297 = arith.mulf %get3A_296, %get3A_266 : vector<16xf32>
    %sub3A_298 = arith.subf %mul3A_293, %mul3A_297 : vector<16xf32>
    %abs3A_299 = math.absf %sub3A_298 : vector<16xf32>
    %add3A_300 = arith.addf %add3A_263, %abs3A_299 : vector<16xf32>
    %get3A_301 = arith.constant 112 : index
    %get3A_302 = tpu.vector_load %arg14[%get3A_301] {strides = array<i32>} : memref<128xf32, #tpu.memory_space<vmem>>, vector<16xf32>,
    %get3A_303 = vector.shape_cast %get3A_302 : vector<16xf32> to vector<16xf32>
    %mul3A_304 = arith.mulf %get3A_303, %get3A_266 : vector<16xf32>
    %get3A_305 = arith.constant 48 : index
    %get3A_306 = tpu.vector_load %arg18[%get3A_305] {strides = array<i32>} : memref<64xf32, #tpu.memory_space<vmem>>, vector<16xf32>,
    %get3A_307 = vector.shape_cast %get3A_306 : vector<16xf32> to vector<16xf32>
    %mul3A_308 = arith.mulf %get3A_307, %get3A_266 : vector<16xf32>
    %sub3A_309 = arith.subf %mul3A_304, %mul3A_308 : vector<16xf32>
    %abs3A_310 = math.absf %sub3A_309 : vector<16xf32>
    %add3A_311 = arith.addf %add3A_300, %abs3A_310 : vector<16xf32>
    %swap3A_312 = arith.constant 0 : index
    %swap3A_313 = tpu.vector_load %arg20[%swap3A_312] {strides = array<i32>} : memref<16xf32, #tpu.memory_space<vmem>>, vector<16xf32>,
    %swap3A_314 = vector.shape_cast %swap3A_313 : vector<16xf32> to vector<16xf32>
    %swap3A_315 = vector.shape_cast %add3A_289 : vector<16xf32> to vector<16xf32>
    tpu.vector_store %arg20[%swap3A_312], %swap3A_315 {strides = array<i32>} : memref<16xf32, #tpu.memory_space<vmem>>, vector<16xf32>,
    "tpu.region"() ({
      %run_scoped3A = tpu.sem_alloc : memref<!tpu.dma_semaphore, #tpu.memory_space<semaphore_mem>>
      %dma_start3A_324 = arith.constant 0 : i32
      %dma_start3A_325 = tpu.memref_slice %arg8[%add3A, %dma_start3A_324] : memref<32x16xf32, #tpu.memory_space<hbm>> -> memref<1x16xf32, #tpu.memory_space<hbm>>
      %dma_start3A_326 = tpu.memref_squeeze %dma_start3A_325 : memref<1x16xf32, #tpu.memory_space<hbm>> -> memref<16xf32, #tpu.memory_space<hbm>>
      %dma_start3A_327 = arith.constant 0 : i32
      %dma_start3A_328 = tpu.memref_slice %arg8[%add3A, %dma_start3A_327] : memref<32x16xf32, #tpu.memory_space<hbm>> -> memref<1x16xf32, #tpu.memory_space<hbm>>
      %dma_start3A_329 = tpu.memref_squeeze %dma_start3A_328 : memref<1x16xf32, #tpu.memory_space<hbm>> -> memref<16xf32, #tpu.memory_space<hbm>>
      tpu.enqueue_dma source(%arg20 : memref<16xf32, #tpu.memory_space<vmem>>) target(%dma_start3A_329 : memref<16xf32, #tpu.memory_space<hbm>>) target_semaphore(%run_scoped3A : memref<!tpu.dma_semaphore, #tpu.memory_space<semaphore_mem>>)
      %dma_wait3A_330 = arith.constant 0 : i32
      %dma_wait3A_331 = tpu.memref_slice %arg8[%add3A, %dma_wait3A_330] : memref<32x16xf32, #tpu.memory_space<hbm>> -> memref<1x16xf32, #tpu.memory_space<hbm>>
      %dma_wait3A_332 = tpu.memref_squeeze %dma_wait3A_331 : memref<1x16xf32, #tpu.memory_space<hbm>> -> memref<16xf32, #tpu.memory_space<hbm>>
      %dma_wait3A_333 = arith.constant 0 : i32
      %dma_wait3A_334 = tpu.memref_slice %arg8[%add3A, %dma_wait3A_333] : memref<32x16xf32, #tpu.memory_space<hbm>> -> memref<1x16xf32, #tpu.memory_space<hbm>>
      %dma_wait3A_335 = tpu.memref_squeeze %dma_wait3A_334 : memref<1x16xf32, #tpu.memory_space<hbm>> -> memref<16xf32, #tpu.memory_space<hbm>>
      tpu.wait_dma2 semaphore(%run_scoped3A : memref<!tpu.dma_semaphore, #tpu.memory_space<semaphore_mem>>) src(%arg20 : memref<16xf32, #tpu.memory_space<vmem>>) dst(%dma_wait3A_335 : memref<16xf32, #tpu.memory_space<hbm>>)
      tpu.yield
    }) : () -> ()
    %swap3A_316 = arith.constant 0 : index
    %swap3A_317 = tpu.vector_load %arg20[%swap3A_316] {strides = array<i32>} : memref<16xf32, #tpu.memory_space<vmem>>, vector<16xf32>,
    %swap3A_318 = vector.shape_cast %swap3A_317 : vector<16xf32> to vector<16xf32>
    %swap3A_319 = vector.shape_cast %add3A_311 : vector<16xf32> to vector<16xf32>
    tpu.vector_store %arg20[%swap3A_316], %swap3A_319 {strides = array<i32>} : memref<16xf32, #tpu.memory_space<vmem>>, vector<16xf32>,
    "tpu.region"() ({
      %run_scoped3A = tpu.sem_alloc : memref<!tpu.dma_semaphore, #tpu.memory_space<semaphore_mem>>
      %dma_start3A_324 = arith.constant 0 : i32
      %dma_start3A_325 = tpu.memref_slice %arg9[%add3A, %dma_start3A_324] : memref<32x16xf32, #tpu.memory_space<hbm>> -> memref<1x16xf32, #tpu.memory_space<hbm>>
      %dma_start3A_326 = tpu.memref_squeeze %dma_start3A_325 : memref<1x16xf32, #tpu.memory_space<hbm>> -> memref<16xf32, #tpu.memory_space<hbm>>
      %dma_start3A_327 = arith.constant 0 : i32
      %dma_start3A_328 = tpu.memref_slice %arg9[%add3A, %dma_start3A_327] : memref<32x16xf32, #tpu.memory_space<hbm>> -> memref<1x16xf32, #tpu.memory_space<hbm>>
      %dma_start3A_329 = tpu.memref_squeeze %dma_start3A_328 : memref<1x16xf32, #tpu.memory_space<hbm>> -> memref<16xf32, #tpu.memory_space<hbm>>
      tpu.enqueue_dma source(%arg20 : memref<16xf32, #tpu.memory_space<vmem>>) target(%dma_start3A_329 : memref<16xf32, #tpu.memory_space<hbm>>) target_semaphore(%run_scoped3A : memref<!tpu.dma_semaphore, #tpu.memory_space<semaphore_mem>>)
      %dma_wait3A_330 = arith.constant 0 : i32
      %dma_wait3A_331 = tpu.memref_slice %arg9[%add3A, %dma_wait3A_330] : memref<32x16xf32, #tpu.memory_space<hbm>> -> memref<1x16xf32, #tpu.memory_space<hbm>>
      %dma_wait3A_332 = tpu.memref_squeeze %dma_wait3A_331 : memref<1x16xf32, #tpu.memory_space<hbm>> -> memref<16xf32, #tpu.memory_space<hbm>>
      %dma_wait3A_333 = arith.constant 0 : i32
      %dma_wait3A_334 = tpu.memref_slice %arg9[%add3A, %dma_wait3A_333] : memref<32x16xf32, #tpu.memory_space<hbm>> -> memref<1x16xf32, #tpu.memory_space<hbm>>
      %dma_wait3A_335 = tpu.memref_squeeze %dma_wait3A_334 : memref<1x16xf32, #tpu.memory_space<hbm>> -> memref<16xf32, #tpu.memory_space<hbm>>
      tpu.wait_dma2 semaphore(%run_scoped3A : memref<!tpu.dma_semaphore, #tpu.memory_space<semaphore_mem>>) src(%arg20 : memref<16xf32, #tpu.memory_space<vmem>>) dst(%dma_wait3A_335 : memref<16xf32, #tpu.memory_space<hbm>>)
      tpu.yield
    }) : () -> ()
    %swap3A_320 = arith.constant 0 : index
    %swap3A_321 = tpu.vector_load %arg20[%swap3A_320] {strides = array<i32>} : memref<16xf32, #tpu.memory_space<vmem>>, vector<16xf32>,
    %swap3A_322 = vector.shape_cast %swap3A_321 : vector<16xf32> to vector<16xf32>
    %swap3A_323 = vector.shape_cast %add3A_267 : vector<16xf32> to vector<16xf32>
    tpu.vector_store %arg20[%swap3A_320], %swap3A_323 {strides = array<i32>} : memref<16xf32, #tpu.memory_space<vmem>>, vector<16xf32>,
    "tpu.region"() ({
      %run_scoped3A = tpu.sem_alloc : memref<!tpu.dma_semaphore, #tpu.memory_space<semaphore_mem>>
      %dma_start3A_324 = arith.constant 0 : i32
      %dma_start3A_325 = tpu.memref_slice %arg10[%add3A, %dma_start3A_324] : memref<32x16xf32, #tpu.memory_space<hbm>> -> memref<1x16xf32, #tpu.memory_space<hbm>>
      %dma_start3A_326 = tpu.memref_squeeze %dma_start3A_325 : memref<1x16xf32, #tpu.memory_space<hbm>> -> memref<16xf32, #tpu.memory_space<hbm>>
      %dma_start3A_327 = arith.constant 0 : i32
      %dma_start3A_328 = tpu.memref_slice %arg10[%add3A, %dma_start3A_327] : memref<32x16xf32, #tpu.memory_space<hbm>> -> memref<1x16xf32, #tpu.memory_space<hbm>>
      %dma_start3A_329 = tpu.memref_squeeze %dma_start3A_328 : memref<1x16xf32, #tpu.memory_space<hbm>> -> memref<16xf32, #tpu.memory_space<hbm>>
      tpu.enqueue_dma source(%arg20 : memref<16xf32, #tpu.memory_space<vmem>>) target(%dma_start3A_329 : memref<16xf32, #tpu.memory_space<hbm>>) target_semaphore(%run_scoped3A : memref<!tpu.dma_semaphore, #tpu.memory_space<semaphore_mem>>)
      %dma_wait3A_330 = arith.constant 0 : i32
      %dma_wait3A_331 = tpu.memref_slice %arg10[%add3A, %dma_wait3A_330] : memref<32x16xf32, #tpu.memory_space<hbm>> -> memref<1x16xf32, #tpu.memory_space<hbm>>
      %dma_wait3A_332 = tpu.memref_squeeze %dma_wait3A_331 : memref<1x16xf32, #tpu.memory_space<hbm>> -> memref<16xf32, #tpu.memory_space<hbm>>
      %dma_wait3A_333 = arith.constant 0 : i32
      %dma_wait3A_334 = tpu.memref_slice %arg10[%add3A, %dma_wait3A_333] : memref<32x16xf32, #tpu.memory_space<hbm>> -> memref<1x16xf32, #tpu.memory_space<hbm>>
      %dma_wait3A_335 = tpu.memref_squeeze %dma_wait3A_334 : memref<1x16xf32, #tpu.memory_space<hbm>> -> memref<16xf32, #tpu.memory_space<hbm>>
      tpu.wait_dma2 semaphore(%run_scoped3A : memref<!tpu.dma_semaphore, #tpu.memory_space<semaphore_mem>>) src(%arg20 : memref<16xf32, #tpu.memory_space<vmem>>) dst(%dma_wait3A_335 : memref<16xf32, #tpu.memory_space<hbm>>)
      tpu.yield
    }) : () -> ()
    return
  }
}

module attributes {stable_mosaic.version = 14 : i64} {
  func.func @_focal_block(%arg0: i32, %arg1: memref<64x16384xf32, #tpu.memory_space<vmem>>, %arg2: memref<64x16384xf32, #tpu.memory_space<vmem>>, %arg3: memref<3xf32, #tpu.memory_space<smem>>) attributes {dimension_semantics = [#tpu.dimension_semantics<arbitrary>], iteration_bounds = array<i64: 20>, scalar_prefetch = 0 : i64, scratch_operands = 0 : i64, tpu.core_type = #tpu.core_type<tc>, window_params = [{transform_indices = @transform_0, window_bounds = array<i64: 64, 16384>}, {transform_indices = @transform_1, window_bounds = array<i64: 64, 16384>}, {transform_indices = @transform_2, window_bounds = array<i64: 3>}]} {
    %eq3A = arith.constant 0 : i32
    %eq3A_0 = arith.cmpi eq, %arg0, %eq3A : i32
    %convert_element_type3A = arith.extui %eq3A_0 : i1 to i32
    %cond3A = arith.constant 0 : i32
    %cond3A_1 = arith.cmpi ne, %convert_element_type3A, %cond3A : i32
    scf.if %cond3A_1 {
      %swap3A_68 = arith.constant 0.000000e+00 : f32
      %swap3A_69 = arith.constant 0 : index
      %swap3A_70 = memref.load %arg3[%swap3A_69] : memref<3xf32, #tpu.memory_space<smem>>
      memref.store %swap3A_68, %arg3[%swap3A_69] : memref<3xf32, #tpu.memory_space<smem>>
      %swap3A_71 = arith.constant 0.000000e+00 : f32
      %swap3A_72 = arith.constant 1 : index
      %swap3A_73 = memref.load %arg3[%swap3A_72] : memref<3xf32, #tpu.memory_space<smem>>
      memref.store %swap3A_71, %arg3[%swap3A_72] : memref<3xf32, #tpu.memory_space<smem>>
      %swap3A_74 = arith.constant 0.000000e+00 : f32
      %swap3A_75 = arith.constant 2 : index
      %swap3A_76 = memref.load %arg3[%swap3A_75] : memref<3xf32, #tpu.memory_space<smem>>
      memref.store %swap3A_74, %arg3[%swap3A_75] : memref<3xf32, #tpu.memory_space<smem>>
    } else {
    }
    %get3A = arith.constant 0 : index
    %get3A_2 = arith.constant 0 : index
    %get3A_3 = vector.load %arg1[%get3A, %get3A_2] : memref<64x16384xf32, #tpu.memory_space<vmem>>, vector<64x16384xf32>
    %get3A_4 = arith.constant 0 : index
    %get3A_5 = arith.constant 0 : index
    %get3A_6 = vector.load %arg2[%get3A_4, %get3A_5] : memref<64x16384xf32, #tpu.memory_space<vmem>>, vector<64x16384xf32>
    %neg3A = arith.constant 0.000000e+00 : f32
    %neg3A_7 = vector.broadcast %neg3A : f32 to vector<64x16384xf32>
    %neg3A_8 = arith.subf %neg3A_7, %get3A_3 : vector<64x16384xf32>
    %exp3A = math.exp %neg3A_8 : vector<64x16384xf32>
    %add3A = arith.constant 1.000000e+00 : f32
    %add3A_9 = vector.broadcast %add3A : f32 to vector<64x16384xf32>
    %add3A_10 = arith.addf %add3A_9, %exp3A : vector<64x16384xf32>
    %div3A = arith.constant 1.000000e+00 : f32
    %div3A_11 = vector.broadcast %div3A : f32 to vector<64x16384xf32>
    %div3A_12 = arith.divf %div3A_11, %add3A_10 : vector<64x16384xf32>
    %jit3A = arith.constant 9.99999974E-5 : f32
    %jit3A_13 = arith.constant 0.999899983 : f32
    %max3A = vector.broadcast %jit3A : f32 to vector<64x16384xf32>
    %max3A_14 = arith.maximumf %max3A, %div3A_12 : vector<64x16384xf32>
    %min3A = vector.broadcast %jit3A_13 : f32 to vector<64x16384xf32>
    %min3A_15 = arith.minimumf %min3A, %max3A_14 : vector<64x16384xf32>
    %eq3A_16 = arith.constant 1.000000e+00 : f32
    %eq3A_17 = vector.broadcast %eq3A_16 : f32 to vector<64x16384xf32>
    %eq3A_18 = arith.cmpf oeq, %get3A_6, %eq3A_17 : vector<64x16384xf32>
    %convert_element_type3A_19 = arith.extui %eq3A_18 : vector<64x16384xi1> to vector<64x16384xi32>
    %convert_element_type3A_20 = arith.sitofp %convert_element_type3A_19 : vector<64x16384xi32> to vector<64x16384xf32>
    %lt3A = arith.constant 1.000000e+00 : f32
    %lt3A_21 = vector.broadcast %lt3A : f32 to vector<64x16384xf32>
    %lt3A_22 = arith.cmpf olt, %get3A_6, %lt3A_21 : vector<64x16384xf32>
    %convert_element_type3A_23 = arith.extui %lt3A_22 : vector<64x16384xi1> to vector<64x16384xi32>
    %convert_element_type3A_24 = arith.sitofp %convert_element_type3A_23 : vector<64x16384xi32> to vector<64x16384xf32>
    %sub3A = arith.constant 1.000000e+00 : f32
    %sub3A_25 = vector.broadcast %sub3A : f32 to vector<64x16384xf32>
    %sub3A_26 = arith.subf %sub3A_25, %min3A_15 : vector<64x16384xf32>
    %sub3A_27 = arith.constant 1.000000e+00 : f32
    %sub3A_28 = vector.broadcast %sub3A_27 : f32 to vector<64x16384xf32>
    %sub3A_29 = arith.subf %sub3A_28, %get3A_6 : vector<64x16384xf32>
    %mul3A = arith.mulf %sub3A_29, %sub3A_29 : vector<64x16384xf32>
    %mul3A_30 = arith.mulf %sub3A_29, %sub3A_29 : vector<64x16384xf32>
    %mul3A_31 = arith.mulf %mul3A, %mul3A_30 : vector<64x16384xf32>
    %log3A = math.log %min3A_15 : vector<64x16384xf32>
    %mul3A_32 = arith.mulf %sub3A_26, %sub3A_26 : vector<64x16384xf32>
    %mul3A_33 = arith.mulf %log3A, %mul3A_32 : vector<64x16384xf32>
    %mul3A_34 = arith.mulf %mul3A_33, %convert_element_type3A_20 : vector<64x16384xf32>
    %log3A_35 = math.log %sub3A_26 : vector<64x16384xf32>
    %mul3A_36 = arith.mulf %min3A_15, %min3A_15 : vector<64x16384xf32>
    %mul3A_37 = arith.mulf %log3A_35, %mul3A_36 : vector<64x16384xf32>
    %mul3A_38 = arith.mulf %mul3A_37, %mul3A_31 : vector<64x16384xf32>
    %mul3A_39 = arith.mulf %mul3A_38, %convert_element_type3A_24 : vector<64x16384xf32>
    %get3A_40 = arith.constant 0 : index
    %get3A_41 = memref.load %arg3[%get3A_40] : memref<3xf32, #tpu.memory_space<smem>>
    %reduce_sum3A = vector.shape_cast %mul3A_34 : vector<64x16384xf32> to vector<1x64x16384xf32>
    %reduce_sum3A_42 = arith.constant dense<0.000000e+00> : vector<1xf32>
    %reduce_sum3A_43 = vector.multi_reduction <add>, %reduce_sum3A, %reduce_sum3A_42 [1, 2] : vector<1x64x16384xf32> to vector<1xf32>
    %reduce_sum3A_44 = vector.shape_cast %reduce_sum3A_43 : vector<1xf32> to vector<1x1x1xf32>
    %reduce_sum3A_45 = vector.extract %reduce_sum3A_44[0, 0, 0] : f32 from vector<1x1x1xf32>
    %add3A_46 = arith.addf %get3A_41, %reduce_sum3A_45 : f32
    %swap3A = arith.constant 0 : index
    %swap3A_47 = memref.load %arg3[%swap3A] : memref<3xf32, #tpu.memory_space<smem>>
    memref.store %add3A_46, %arg3[%swap3A] : memref<3xf32, #tpu.memory_space<smem>>
    %get3A_48 = arith.constant 1 : index
    %get3A_49 = memref.load %arg3[%get3A_48] : memref<3xf32, #tpu.memory_space<smem>>
    %reduce_sum3A_50 = vector.shape_cast %mul3A_39 : vector<64x16384xf32> to vector<1x64x16384xf32>
    %reduce_sum3A_51 = arith.constant dense<0.000000e+00> : vector<1xf32>
    %reduce_sum3A_52 = vector.multi_reduction <add>, %reduce_sum3A_50, %reduce_sum3A_51 [1, 2] : vector<1x64x16384xf32> to vector<1xf32>
    %reduce_sum3A_53 = vector.shape_cast %reduce_sum3A_52 : vector<1xf32> to vector<1x1x1xf32>
    %reduce_sum3A_54 = vector.extract %reduce_sum3A_53[0, 0, 0] : f32 from vector<1x1x1xf32>
    %add3A_55 = arith.addf %get3A_49, %reduce_sum3A_54 : f32
    %swap3A_56 = arith.constant 1 : index
    %swap3A_57 = memref.load %arg3[%swap3A_56] : memref<3xf32, #tpu.memory_space<smem>>
    memref.store %add3A_55, %arg3[%swap3A_56] : memref<3xf32, #tpu.memory_space<smem>>
    %get3A_58 = arith.constant 2 : index
    %get3A_59 = memref.load %arg3[%get3A_58] : memref<3xf32, #tpu.memory_space<smem>>
    %reduce_sum3A_60 = vector.shape_cast %convert_element_type3A_20 : vector<64x16384xf32> to vector<1x64x16384xf32>
    %reduce_sum3A_61 = arith.constant dense<0.000000e+00> : vector<1xf32>
    %reduce_sum3A_62 = vector.multi_reduction <add>, %reduce_sum3A_60, %reduce_sum3A_61 [1, 2] : vector<1x64x16384xf32> to vector<1xf32>
    %reduce_sum3A_63 = vector.shape_cast %reduce_sum3A_62 : vector<1xf32> to vector<1x1x1xf32>
    %reduce_sum3A_64 = vector.extract %reduce_sum3A_63[0, 0, 0] : f32 from vector<1x1x1xf32>
    %add3A_65 = arith.addf %get3A_59, %reduce_sum3A_64 : f32
    %swap3A_66 = arith.constant 2 : index
    %swap3A_67 = memref.load %arg3[%swap3A_66] : memref<3xf32, #tpu.memory_space<smem>>
    memref.store %add3A_65, %arg3[%swap3A_66] : memref<3xf32, #tpu.memory_space<smem>>
    return
  }
  func.func @transform_0(%arg0: i32) -> (i32, i32) {
    %c0_i32 = arith.constant 0 : i32
    %c0_i32_0 = arith.constant 0 : i32
    return %arg0, %c0_i32 : i32, i32
  }
  func.func @transform_1(%arg0: i32) -> (i32, i32) {
    %c0_i32 = arith.constant 0 : i32
    %c0_i32_0 = arith.constant 0 : i32
    return %arg0, %c0_i32 : i32, i32
  }
  func.func @transform_2(%arg0: i32) -> i32 {
    %c0_i32 = arith.constant 0 : i32
    %c0_i32_0 = arith.constant 0 : i32
    return %c0_i32 : i32
  }
}

</mosaic_0001>

<sc_bundles>
// kernel: kernel.4.cloned.1.call-start
scs
__scs_entry_jumppad:
0x0: {  	(pc) =	sbr.rel $0x88, $3  }
0x1: {  	(tag) =	ssettag $0x0;
	lr =	simm.s32 $0x1  }
0x2: {  	[smem:$0x3F99] =	sst lr;
	_ =	strace $0xD0000000  }
0x3: {  	_ = 	snop  }
0x4: {  	_ = 	snop  }
0x5: {  	_ = 	snop  }
0x6: {  	_ = 	snop  }
0x7: {  	_ = 	snop  }
__scs_overlays_trampoline_lowered:
0x8: {  	[smem:$0x3FA8] =	sst s0  }
0x9: {  	[smem:$0x3FA9] =	sst s1  }
0xa: {  	[smem:$0x3FAA] =	sst s2  }
0xb: {  	[smem:$0x3FAB] =	sst s3  }
0xc: {  	[smem:$0x3FAC] =	sst s4  }
0xd: {  	[smem:$0x3FAD] =	sst s5  }
0xe: {  	[smem:$0x3FAE] =	sst s6  }
0xf: {  	[smem:$0x3FAF] =	sst s7  }
0x10: {  	[smem:$0x3FB0] =	sst s8  }
0x11: {  	[smem:$0x3FB1] =	sst s9;
	s0 =	simm.s32 @!p0 $0x0  }
0x12: {  	s1 =	sld [smem:$0x3F97];
	s0 =	simm.s32 @p0 $0x1  }
0x13: {  	[smem:$0x3FB2] =	sst s0;
	s0 =	simm.s32 @!p1 $0x0  }
0x14: {  	s2 =	sld [smem:$0x3F96];
	s0 =	simm.s32 @p1 $0x1  }
0x15: {  	[smem:$0x3FB3] =	sst s0;
	s0 =	simm.s32 @!p2 $0x0  }
0x16: {  	s3 =	sld [smem:$0x3FDB];
	s0 =	simm.s32 @p2 $0x1  }
0x17: {  	s4 =	simm.s32 $0x1BF5;
	[smem:$0x3FB5] =	sst s0  }
0x18: {  	s0 =	sld [smem:$0x3F98];
	_ =	swait.ge [sflag:s4], $0x0  }
0x19: {  	s7 =	sld [smem:$0x3F99]  }
0x1a: {  	s8 =	sadd.s32 $0xFFFFE003, lr  }
0x1b: {  	s9 =	sadd.s32 $0xFFFFFEF7, lr;
	s5 =	simm.s32 $0xFFFFFFFF;
	p2 =	slt.u32 s8, $0xFFFFF086  }
0x1c: {  	p1 =	slt.u32 s9, $0xF7A;
	s5 =	simm.s32 @!p2 $0x0  }
0x1d: {  	s5 =	simm.s32 @p1 $0x1;
	p0 =	seq.s32 s7, s2  }
0x1e: {  	s7 =	smul.u32 @!p0 $0xF7A, s2;
	p2 =	seq.s32 @!p0 s5, $0x0  }
0x1f: {  	s9 =	smul.u32 $0xF7A, s1;
	s8 =	simm.s32 @!p0 $0x1BF5;
	p2 =	por !p2, p0  }
0x20: {  	[sflag:s8] =	ssyncset.s32 @!p0 $0xFFFFF086;
	s6 =	sadd.s32 @!p0 s3, s7;
	s7 =	simm.s32 @!p0 $0x108  }
0x21: {  	s3 =	sadd.s32 s3, s9;
	s6 =	sadd.s32 @!p0 $0x88, s6;
	s7 =	simm.s32 @p2 $0x1082  }
0x22: {  	[simem:s7], [sflag:s8] =	dma.local @!p0 [hbm:s6], $0xF7A  }
0x23: {  	s9 =	sor.u32 $0xD0000000, s2;
	s6 =	simm.s32 $0x108;
	_ =	swait.ge @!p0 [sflag:s8], $0x0  }
0x24: {  	s3 =	sadd.s32 $0x88, s3;
	s6 =	simm.s32 @!p1 $0x1082;
	[sflag:s4] =	ssyncset.s32 $0xFFFFF086  }
0x25: {  	[simem:s6], [sflag:s4] =	dma.local [hbm:s3], $0xF7A  }
0x26: {  	[smem:$0x3F99] =	sst s1;
	(tag) =	ssettag s2;
	_ =	strace s9  }
0x27: {  	s1 =	sld [smem:$0x3FA9]  }
0x28: {  	s2 =	sld [smem:$0x3FAA]  }
0x29: {  	s4 =	sld [smem:$0x3FAC]  }
0x2a: {  	p0 =	seq.s32 s5, $0x0;
	s5 =	sld [smem:$0x3FAD]  }
0x2b: {  	s6 =	sld [smem:$0x3FAE]  }
0x2c: {  	s7 =	sld [smem:$0x3FAF]  }
0x2d: {  	s3 =	simm.s32 $0x108;
	s8 =	sld [smem:$0x3FB0]  }
0x2e: {  	s3 =	simm.s32 @!p0 $0x1082;
	s9 =	sld [smem:$0x3FB1]  }
0x2f: {  	lr =	sadd.s32 s0, s3;
	s0 =	sld [smem:$0x3FA8]  }
0x30: {  	s3 =	sld [smem:$0x3FAB]  }
0x31: {  	[smem:$0x3FB4] =	sst s10  }
0x32: {  	s10 =	sld [smem:$0x3FB2];
	_ =	sdelay $0x3  }
0x33: {  	p0 =	seq.s32 s10, $0x1;
	s10 =	sld [smem:$0x3FB4];
	_ =	sdelay $0x3  }
0x34: {  	[smem:$0x3FB4] =	sst s10  }
0x35: {  	s10 =	sld [smem:$0x3FB3];
	_ =	sdelay $0x3  }
0x36: {  	p1 =	seq.s32 s10, $0x1;
	s10 =	sld [smem:$0x3FB4];
	_ =	sdelay $0x3  }
0x37: {  	[smem:$0x3FB4] =	sst s10  }
0x38: {  	s10 =	sld [smem:$0x3FB5]  }
0x39: {  	_ = 	snop;
	(pc) =	sbr.ind lr, $3  }
0x3a: {  	_ = 	snop  }
0x3b: {  	_ = 	snop  }
0x3c: {  	p2 =	seq.s32 s10, $0x1;
	s10 =	sld [smem:$0x3FB4]  }
0x3d: {  	_ =	shalt  }
0x3e: {  	_ =	shalt  }
0x3f: {  	_ =	shalt  }
0x40: {  	_ =	shalt  }
0x41: {  	_ =	shalt  }
0x42: {  	_ =	shalt  }
0x43: {  	_ =	shalt  }
0x44: {  	_ =	shalt  }
0x45: {  	_ =	shalt  }
0x46: {  	_ =	shalt  }
0x47: {  	_ =	shalt  }
0x48: {  	_ =	shalt  }
0x49: {  	_ =	shalt  }
0x4a: {  	_ =	shalt  }
0x4b: {  	_ =	shalt  }
0x4c: {  	_ =	shalt  }
0x4d: {  	_ =	shalt  }
0x4e: {  	_ =	shalt  }
0x4f: {  	_ =	shalt  }
0x50: {  	_ =	shalt  }
0x51: {  	_ =	shalt  }
0x52: {  	_ =	shalt  }
0x53: {  	_ =	shalt  }
0x54: {  	_ =	shalt  }
0x55: {  	_ =	shalt  }
0x56: {  	_ =	shalt  }
0x57: {  	_ =	shalt  }
0x58: {  	_ =	shalt  }
0x59: {  	_ =	shalt  }
0x5a: {  	_ =	shalt  }
0x5b: {  	_ =	shalt  }
0x5c: {  	_ =	shalt  }
0x5d: {  	_ =	shalt  }
0x5e: {  	_ =	shalt  }
0x5f: {  	_ =	shalt  }
0x60: {  	_ =	shalt  }
0x61: {  	_ =	shalt  }
0x62: {  	_ =	shalt  }
0x63: {  	_ =	shalt  }
0x64: {  	_ =	shalt  }
0x65: {  	_ =	shalt  }
0x66: {  	_ =	shalt  }
0x67: {  	_ =	shalt  }
0x68: {  	_ =	shalt  }
0x69: {  	_ =	shalt  }
0x6a: {  	_ =	shalt  }
0x6b: {  	_ =	shalt  }
0x6c: {  	_ =	shalt  }
0x6d: {  	_ =	shalt  }
0x6e: {  	_ =	shalt  }
0x6f: {  	_ =	shalt  }
0x70: {  	_ =	shalt  }
0x71: {  	_ =	shalt  }
0x72: {  	_ =	shalt  }
0x73: {  	_ =	shalt  }
0x74: {  	_ =	shalt  }
0x75: {  	_ =	shalt  }
0x76: {  	_ =	shalt  }
0x77: {  	_ =	shalt  }
0x78: {  	_ =	shalt  }
0x79: {  	_ =	shalt  }
0x7a: {  	_ =	shalt  }
0x7b: {  	_ =	shalt  }
0x7c: {  	_ =	shalt  }
0x7d: {  	_ =	shalt  }
0x7e: {  	_ =	shalt  }
0x7f: {  	_ =	shalt  }
0x80: {  	_ =	shalt  }
0x81: {  	_ =	shalt  }
0x82: {  	_ =	shalt  }
0x83: {  	_ =	shalt  }
0x84: {  	_ =	shalt  }
0x85: {  	_ =	shalt  }
0x86: {  	_ =	shalt  }
0x87: {  	_ =	shalt  }
.Lfunc_end0:
.L_simem_size_0:
called_computation_lowered:
.L_overlay_start_0:
0x88: {  	s2 =	sld [smem:$0x3FD9]  }
0x89: {  	s3 =	sld [smem:$0x3FFE];
	_ =	sdelay $0x1  }
0x8a: {  	s1 =	srdreg.scid  }
0x8b: {  	s0 =	sand.u32 $0x1, s1  }
0x8c: {  	s17 =	sshll.u32 s0, $0xA;
	s2 =	sadd.s32 s3, s2  }
0x8d: {  	s2 =	sadd.s32 s2, s17  }
0x8e: {  	[smem:$0x3FC0] =	sst s2  }
0x8f: {  	_ = 	snop  }
0x90: {  	s2 =	sld [smem:$0x3FC7]  }
0x91: {  	s18 =	sld [smem:$0x3FC6]  }
0x92: {  	s4 =	sld [smem:$0x3FC5]  }
0x93: {  	s5 =	sld [smem:$0x3FC4]  }
0x94: {  	s6 =	sld [smem:$0x3FC3]  }
0x95: {  	s7 =	sld [smem:$0x3FC2];
	(tm) =	ssettm $0x1  }
0x96: {  	s8 =	sld [smem:$0x3FFB];
	_ =	sdelay $0x3  }
0x97: {  	_ =	strace s8  }
0x98: {  	s8 =	sld [smem:$0x3FFC];
	_ =	sdelay $0x3  }
0x99: {  	_ =	strace s8  }
0x9a: {  	s8 =	sld [smem:$0x3FFD];
	_ =	sdelay $0x3  }
0x9b: {  	_ =	strace s8  }
0x9c: {  	_ =	strace $0x8FFFFFFF  }
0x9d: {  	s19 =	sld [smem:$0x3FDB];
	_ =	sdelay $0x1  }
0x9e: {  	s9 =	simm.s32 $_scs_section_size  }
0x9f: {  	s10 =	simm.s32 $_size__tile_overlayer_lowered;
	s11 =	simm.s32 $_tile_overlayer_lowered  }
0xa0: {  	s22 =	simm.s32 $0x1BFF;
	s21 =	sshll.u32 s11, $0x1;
	s8 =	sadd.s32 s9, s19  }
0xa1: {  	s12 =	simm.s32 $0x0;
	s20 =	sshll.u32 s10, $0x1;
	s10 =	sadd.s32 s21, s8  }
0xa2: {  	[timem:s12], [sflag:s22] =	dma.local [hbm:s10], s20  }
0xa3: {  	_ =	swait.ge [sflag:s22], s20  }
0xa4: {  	s9 =	ssub.s32 $0x0, s20;
	[sflag:s22] =	ssyncset.done $0x0  }
0xa5: {  	[sflag:s22] =	ssyncadd.s32 s9;
	_ =	sdelay $0x1  }
0xa6: {  	s23 =	simm.s32 $0x1B8B  }
0xa7: {  	_ =	swait.ge [sflag:s23], $0x1  }
0xa8: {  	[sflag:s23] =	ssyncset.done $0x0  }
0xa9: {  	s25 =	simm.s32 $0x1B8E;
	s24 =	sld [smem:$0x3FFE];
	[sflag:s23] =	ssyncadd.s32 $0xFFFFFFFF  }
0xaa: {  	s26 =	simm.s32 $execute0_lowered;
	[smem:$0x3FD2] =	sst s25  }
0xab: {  	s10 =	sshll.u32 s26, $0x1;
	_ =	strace $0x80000046;
	[dreg:$0x1] =	wrdreg $0xFFFFFFFF  }
0xac: {  	s28 =	simm.s32 $_size_execute0_lowered;
	s8 =	sadd.s32 s8, s10;
	[dreg:$0x0] =	wrdreg $0x0  }
0xad: {  	s10 =	sshll.u32 s28, $0x1;
	[dreg:$0x2] =	wrdreg s8  }
0xae: {  	[dreg:$0x3] =	wrdreg s10  }
0xaf: {  	[dreg:$0x4] =	wrdreg $0xC0  }
0xb0: {  	_ =	task [dreg:s12], $0x5FFFF  }
0xb1: {  	[dreg:$0x1] =	wrdreg $0xFFFFFFFF  }
0xb2: {  	[dreg:$0x0] =	wrdreg $0x60  }
0xb3: {  	[dreg:$0x2] =	wrdreg s2  }
0xb4: {  	[dreg:$0x3] =	wrdreg s4  }
0xb5: {  	[dreg:$0x4] =	wrdreg s18  }
0xb6: {  	[dreg:$0x5] =	wrdreg s5  }
0xb7: {  	[dreg:$0x6] =	wrdreg s6  }
0xb8: {  	[dreg:$0x7] =	wrdreg s7  }
0xb9: {  	[dreg:$0x8] =	wrdreg s24  }
0xba: {  	[dreg:$0x9] =	wrdreg $0x9  }
0xbb: {  	_ =	task.clear_ibuf [dreg:s12], $0xAFFFF;
	_ =	strace $0x90000046  }
0xbc: {  	s29 =	simm.s32 $0x9;
	_ =	strace $0x80000048  }
0xbd: {  	_ =	swait.ge [sflag:s29], $0x1  }
0xbe: {  	[sflag:s29] =	ssyncadd.s32 $0xFFFFFFFF  }
0xbf: {  	_ =	strace $0x90000048  }
0xc0: {  	_ =	sfence  }
0xc1: {  	s30 =	sld [smem:$0x0];
	_ =	sdelay $0x2  }
0xc2: {  	s31 =	sshll.u32 s1, $0xD;
	s1 =	sshrl.u32 s1, $0x2  }
0xc3: {  	s3 =	sand.u32 $0x4000, s31;
	s1 =	sadd.s32 s1, s30  }
0xc4: {  	s0 =	sor.u32 s3, s0;
	s1 =	sshll.u32 s1, $0x11  }
0xc5: {  	s0 =	sor.u32 s1, s0  }
0xc6: {  	s0 =	sadd.s32 $0x8F2B, s0  }
0xc7: {  	[sflag:s0] =	ssyncadd.remote.s32 $0x1  }
0xc8: {  	_ =	sfence.sel $0xFFFF  }
0xc9: {  	[dreg:$0x0] =	wrdreg $0xFFFFFFFF;
	(pc) =	sbr.abs _section_cstart, $3  }
0xca: {  	[dreg:$0x1] =	wrdreg $0xFFFFFFFF  }
0xcb: {  	_ =	task.clear_ibuf [dreg:s12], $0x2FFFF;
	_ =	strace $0x9FFFFFFF  }
0xcc: {  	(tm) =	ssettm $0x7FFFFFFF  }
0xcd: {  	_ =	shalt  }
tec
execute0_lowered:
.L_overlay_start_1:
0x0: {  	(tag) =	ssettag $0x1  }
0x1: {  	s4 =	rddreg [dreg:$0x0]  }
0x2: {  	s5 =	rddreg [dreg:$0x1]  }
0x3: {  	s11 =	rddreg [dreg:$0x2]  }
0x4: {  	s15 =	rddreg [dreg:$0x3]  }
0x5: {  	s7 =	rddreg [dreg:$0x4]  }
0x6: {  	s3 =	rddreg [dreg:$0x5];
	s1 =	srdreg.scid  }
0x7: {  	s0 =	stileid.u32;
	s17 =	rddreg [dreg:$0x6]  }
0x8: {  	s2 =	simm.s32 $0x0;
	s22 =	sand.u32 $0x1, s1;
	s6 =	sshll.u32 s0, $0x1  }
0x9: {  	s8 =	simm.s32 $0x1;
	s1 =	rddreg [dreg:$0x7];
	s20 =	sor.u32 s22, s6  }
0xa: {  	[smem:$0x7FF] =	sst s2;
	p1 =	seq.s32 s22, $0x1;
	p0 =	seq.s32 s20, $0x0  }
0xb: {  	_ =	strace $0x80000047;
	s9 =	sshll.u32 s20, $0x3;
	p0 =	por !p0, !p1  }
0xc: {  	s6 =	sadd.s32 s3, s9;
	s3 =	simm.s32 $0x2;
	p0 =	por !p0, !p0  }
0xd: {  	[tilespmem:s2], [sflag:$0x2] =	stream.linear.gather [hbm4b:s6+s2], $0x40, $0x38;
	[tilespmem:$0x500] =	vst v63  }
0xe: {  	s10 =	sshll.u32 s22, $0x6;
	s8 =	simm.s32 @!p0 $0x0;
	_ =	swait.ge [sflag:s3], $0x40  }
0xf: {  	s7 =	sadd.s32 s7, s9;
	s18 =	ssub.s32 s0, s8;
	[sflag:s3] =	ssyncset.done $0x0  }
0x10: {  	s8 =	simm.s32 $0x400;
	s31 =	sshll.u32 s18, $0x8;
	[sflag:s3] =	ssyncadd.s32 $0xFFFFFFC0  }
0x11: {  	[tilespmem:s8], [sflag:$0x2] =	stream.linear.gather [hbm4b:s7+s2], $0x40, $0x38;
	[tilespmem:$0x500] =	vst v63  }
0x12: {  	s9 =	sor.u32 s10, s31;
	_ =	swait.ge [sflag:s3], $0x40  }
0x13: {  	s13 =	sshrl.u32 s9, $0x3;
	[sflag:s3] =	ssyncset.done $0x0  }
0x14: {  	s10 =	simm.s32 $0x200;
	s9 =	sadd.s32 s11, s13;
	[sflag:s3] =	ssyncadd.s32 $0xFFFFFFC0  }
0x15: {  	[tilespmem:s10], [sflag:$0x2] =	stream.linear.gather [hbm4b:s9+s2], $0x40, $0x38;
	[tilespmem:$0x500] =	vst v63  }
0x16: {  	_ =	swait.ge [sflag:s3], $0x40  }
0x17: {  	s16 =	sor.u32 $0x10, s13;
	[sflag:s3] =	ssyncset.done $0x0  }
0x18: {  	s12 =	simm.s32 $0x280;
	s11 =	sadd.s32 s11, s16;
	[sflag:s3] =	ssyncadd.s32 $0xFFFFFFC0  }
0x19: {  	[tilespmem:s12], [sflag:$0x2] =	stream.linear.gather [hbm4b:s11+s2], $0x40, $0x38;
	[tilespmem:$0x500] =	vst v63  }
0x1a: {  	_ =	swait.ge [sflag:s3], $0x40  }
0x1b: {  	[sflag:s3] =	ssyncset.done $0x0  }
0x1c: {  	s14 =	simm.s32 $0x300;
	s13 =	sadd.s32 s15, s13;
	[sflag:s3] =	ssyncadd.s32 $0xFFFFFFC0  }
0x1d: {  	[tilespmem:s14], [sflag:$0x2] =	stream.linear.gather [hbm4b:s13+s2], $0x40, $0x38;
	[tilespmem:$0x500] =	vst v63  }
0x1e: {  	_ =	swait.ge [sflag:s3], $0x40  }
0x1f: {  	[sflag:s3] =	ssyncset.done $0x0  }
0x20: {  	s15 =	sadd.s32 s15, s16;
	s16 =	simm.s32 $0x380;
	[sflag:s3] =	ssyncadd.s32 $0xFFFFFFC0  }
0x21: {  	[tilespmem:s16], [sflag:$0x2] =	stream.linear.gather [hbm4b:s15+s2], $0x40, $0x38;
	[tilespmem:$0x500] =	vst v63  }
0x22: {  	_ =	swait.ge [sflag:s3], $0x40  }
0x23: {  	[sflag:s3] =	ssyncset.done $0x0  }
0x24: {  	[sflag:s3] =	ssyncadd.s32 $0xFFFFFFC0  }
0x25: {  	v2 =	vld [tilespmem:$0x30];
	_ =	sdelay $0x1  }
0x26: {  	s18 =	sshll.u32 s18, $0xF;
	v3 =	vld [tilespmem:$0x0]  }
0x27: {  	s19 =	sor.u32 $0x4000, s18;
	v4 =	vld [tilespmem:$0x10]  }
0x28: {  	v0 =	vmov s19  }
0x29: {  	v1 =	vmov s18;
	v5 =	vld [tilespmem:$0x20];
	v6 =	vadd.s32 v0, v2  }
0x2a: {  	v2 =	vadd.s32 v1, v2;
	[tilespmem:$0xF0] =	vst v6  }
0x2b: {  	v6 =	vadd.s32 v1, v3;
	[tilespmem:$0xB0] =	vst v2  }
0x2c: {  	v2 =	vadd.s32 v0, v4;
	[tilespmem:$0x80] =	vst v6  }
0x2d: {  	v3 =	vadd.s32 v0, v3;
	[tilespmem:$0xD0] =	vst v2  }
0x2e: {  	v2 =	vadd.s32 v1, v5;
	[tilespmem:$0xC0] =	vst v3  }
0x2f: {  	v3 =	vadd.s32 v0, v5;
	[tilespmem:$0xA0] =	vst v2  }
0x30: {  	v2 =	vadd.s32 v1, v4;
	[tilespmem:$0xE0] =	vst v3  }
0x31: {  	s21 =	simm.s32 $0x100;
	s18 =	simm.s32 $0x1;
	s19 =	simm.s32 $0x80;
	[tilespmem:$0x90] =	vst v2  }
0x32: {  	[tilespmem:s21], [sflag:$0x1] =	stream.indirect.gather [hbm4b:s4+s19], $0x1, s19, s19, $0xb8;
	[tilespmem:$0x500] =	vst v63  }
0x33: {  	_ =	swait.ge [sflag:s18], $0x80  }
0x34: {  	[sflag:s18] =	ssyncset.done $0x0  }
0x35: {  	s23 =	simm.s32 $0x180;
	[sflag:s18] =	ssyncadd.s32 $0xFFFFFF80  }
0x36: {  	[tilespmem:s23], [sflag:$0x1] =	stream.indirect.gather [hbm4b:s5+s19], $0x1, s19, s19, $0xb8;
	[tilespmem:$0x500] =	vst v63  }
0x37: {  	_ =	swait.ge [sflag:s18], $0x80  }
0x38: {  	[sflag:s18] =	ssyncset.done $0x0  }
0x39: {  	[sflag:s18] =	ssyncadd.s32 $0xFFFFFF80  }
0x3a: {  	v2 =	vld [tilespmem:$0x1E0]  }
0x3b: {  	v3 =	vld [tilespmem:$0x2A0]  }
0x3c: {  	v4 =	vld [tilespmem:$0x1A0]  }
0x3d: {  	v7 =	vld [tilespmem:$0x3A0]  }
0x3e: {  	v6 =	vld [tilespmem:$0x420]  }
0x3f: {  	v8 =	vld [tilespmem:$0x150]  }
0x40: {  	v9 =	vld [tilespmem:$0x290]  }
0x41: {  	v10 =	vld [tilespmem:$0x410]  }
0x42: {  	v12 =	vld [tilespmem:$0x310]  }
0x43: {  	v13 =	vld [tilespmem:$0x390]  }
0x44: {  	v14 =	vld [tilespmem:$0x180]  }
0x45: {  	v16 =	vld [tilespmem:$0x300]  }
0x46: {  	v15 =	vld [tilespmem:$0x1D0]  }
0x47: {  	v17 =	vld [tilespmem:$0x110]  }
0x48: {  	v18 =	vld [tilespmem:$0x210]  }
0x49: {  	v19 =	vld [tilespmem:$0x200]  }
0x4a: {  	v20 =	vld [tilespmem:$0x100]  }
0x4b: {  	v21 =	vld [tilespmem:$0x190];
	v5 =	vmul.f32 v4, v6;
	v4 =	vmul.f32 v2, v6  }
0x4c: {  	v11 =	vld [tilespmem:$0x400];
	v2 =	vmul.f32 v3, v6;
	v3 =	vmul.f32 v7, v6  }
0x4d: {  	s22 =	ssub.s32 $0x2, s22;
	v22 =	vld [tilespmem:$0x160];
	v7 =	vmul.f32 v8, v10;
	v8 =	vmul.f32 v9, v10  }
0x4e: {  	s24 =	sshrl.u32 s22, $0x1;
	v23 =	vld [tilespmem:$0x1C0];
	v9 =	vmul.f32 v13, v10;
	v3 =	vsub.f32 v4, v3;
	v4 =	vmul.f32 v15, v10  }
0x4f: {  	s22 =	ssub.s32 s22, s24;
	v24 =	vld [tilespmem:$0x320];
	v13 =	vmul.f32 v17, v10;
	v15 =	vmul.f32 v18, v10  }
0x50: {  	s25 =	smax.u32 s22, $0x1;
	v7 =	vsub.f32 v7, v8;
	v8 =	vsub.f32 v4, v9;
	v4 =	vmul.f32 v21, v10;
	v21 =	vld [tilespmem:$0x380]  }
0x51: {  	p0 =	sne.s32 s25, $0x1;
	v12 =	vmul.f32 v12, v10;
	v9 =	vsub.f32 v13, v15;
	v13 =	vld [tilespmem:$0x280]  }
.Ltmp0:
0x52: {  	v17 =	vadd.f32 $0.0e+00, v11;
	v20 =	vmul.f32 v20, v11;
	v15 =	vld [tilespmem:$0x140];
	(pc) =	sbr.rel @!p0 .LBB2_2-.Ltmp0, $4  }
0x53: {  	v25 =	vmul.f32 v14, v11;
	v12 =	vsub.f32 v4, v12;
	v4 =	vmul.f32 v19, v11  }
0x54: {  	s20 =	sshll.u32 s20, $0x4;
	v27 =	vmul.f32 v16, v11;
	v14 =	vmul.f32 v24, v6;
	v26 =	vadd.f32 v10, v17;
	v17 =	vld [tilespmem:$0x220]  }
0x55: {  	s17 =	sadd.s32 s17, s20;
	s20 =	simm.s32 $0x480;
	v18 =	vmul.f32 v23, v11;
	v10 =	vmul.f32 v22, v6;
	v19 =	vld [tilespmem:$0x120];
	v16 =	vsub.f32 v20, v4  }
0x56: {  	s24 =	sadd.s32 $0x200, s17;
	s22 =	sadd.s32 $0x400, s17;
	s25 =	sadd.s32 $0xFFFFFFFF, s25;
	v4 =	vadd.f32 v6, v26;
	v20 =	vsub.f32 v25, v27;
	v21 =	vmul.f32 v21, v11  }
.LBB2_1:
0x57: {  	p0 =	sne.s32 s25, $0x1;
	s25 =	sadd.s32 $0xFFFFFFFF, s25;
	v15 =	vmul.f32 v15, v11;
	v11 =	vmul.f32 v13, v11  }
0x58: {  	v13 =	vand.u32 $0x7FFFFFFF, v20;
	v18 =	vsub.f32 v18, v21  }
0x59: {  	v11 =	vsub.f32 v15, v11;
	v15 =	vld [tilespmem:$0x230]  }
0x5a: {  	v19 =	vmul.f32 v19, v6;
	v6 =	vmul.f32 v17, v6;
	v17 =	vld [tilespmem:$0x1B0];
	v18 =	vand.u32 $0x7FFFFFFF, v18  }
0x5b: {  	v20 =	vld [tilespmem:$0x430];
	v13 =	vadd.f32 v18, v13  }
0x5c: {  	v12 =	vand.u32 $0x7FFFFFFF, v12;
	v6 =	vsub.f32 v19, v6;
	v18 =	vld [tilespmem:$0x330]  }
0x5d: {  	v16 =	vand.u32 $0x7FFFFFFF, v16;
	v11 =	vand.u32 $0x7FFFFFFF, v11;
	v19 =	vld [tilespmem:$0x130];
	v12 =	vadd.f32 v12, v13  }
0x5e: {  	v8 =	vand.u32 $0x7FFFFFFF, v8;
	v5 =	vsub.f32 v5, v14;
	v11 =	vadd.f32 v11, v16;
	v13 =	vld [tilespmem:$0x3B0]  }
0x5f: {  	v9 =	vand.u32 $0x7FFFFFFF, v9;
	v14 =	vld [tilespmem:$0x2B0];
	v8 =	vadd.f32 v8, v12  }
0x60: {  	v5 =	vand.u32 $0x7FFFFFFF, v5;
	v9 =	vadd.f32 v9, v11;
	v11 =	vmul.f32 v15, v20;
	v12 =	vld [tilespmem:$0x170]  }
0x61: {  	v7 =	vand.u32 $0x7FFFFFFF, v7;
	v15 =	vld [tilespmem:$0x1F0];
	v5 =	vadd.f32 v5, v8;
	v8 =	vmul.f32 v18, v20  }
0x62: {  	v3 =	vand.u32 $0x7FFFFFFF, v3;
	v7 =	vadd.f32 v7, v9;
	v9 =	vmul.f32 v19, v20  }
0x63: {  	v2 =	vsub.f32 v10, v2;
	v6 =	vand.u32 $0x7FFFFFFF, v6;
	v3 =	vadd.f32 v3, v5  }
0x64: {  	v5 =	vadd.f32 v6, v7;
	v7 =	vmul.f32 v17, v20;
	v6 =	vsub.f32 v9, v11  }
0x65: {  	v2 =	vand.u32 $0x7FFFFFFF, v2;
	v10 =	vmul.f32 v14, v20;
	v9 =	vmul.f32 v12, v20  }
0x66: {  	v11 =	vmul.f32 v13, v20;
	v2 =	vadd.f32 v2, v5;
	v5 =	vmul.f32 v15, v20  }
0x67: {  	v7 =	vsub.f32 v7, v8;
	v6 =	vand.u32 $0x7FFFFFFF, v6;
	v9 =	vsub.f32 v9, v10  }
0x68: {  	v2 =	vadd.f32 v6, v2;
	v5 =	vsub.f32 v5, v11  }
0x69: {  	v7 =	vand.u32 $0x7FFFFFFF, v7;
	v6 =	vand.u32 $0x7FFFFFFF, v9  }
0x6a: {  	v3 =	vadd.f32 v7, v3;
	v2 =	vadd.f32 v6, v2;
	_ =	sdelay $0x1  }
0x6b: {  	[tilespmem:$0x480] =	vst v2  }
0x6c: {  	[hbm4b:s24+s2] =	stream.linear.scatter [tilespmem:s20], [sflag:$0x2], $0x80, $0x38;
	[tilespmem:$0x500] =	vst v63  }
0x6d: {  	v2 =	vand.u32 $0x7FFFFFFF, v5;
	_ =	swait.ge [sflag:s3], $0x80  }
0x6e: {  	v2 =	vadd.f32 v2, v3;
	[sflag:s3] =	ssyncset.done $0x0  }
0x6f: {  	[sflag:s3] =	ssyncadd.s32 $0xFFFFFF80  }
0x70: {  	[tilespmem:$0x480] =	vst v2  }
0x71: {  	[hbm4b:s22+s2] =	stream.linear.scatter [tilespmem:s20], [sflag:$0x2], $0x80, $0x38;
	[tilespmem:$0x500] =	vst v63  }
0x72: {  	_ =	swait.ge [sflag:s3], $0x80  }
0x73: {  	v2 =	vadd.f32 v20, v4;
	[sflag:s3] =	ssyncset.done $0x0  }
0x74: {  	[sflag:s3] =	ssyncadd.s32 $0xFFFFFF80  }
0x75: {  	[tilespmem:$0x480] =	vst v2  }
0x76: {  	[hbm4b:s17+s2] =	stream.linear.scatter [tilespmem:s20], [sflag:$0x2], $0x80, $0x38;
	[tilespmem:$0x500] =	vst v63  }
0x77: {  	_ =	swait.ge [sflag:s3], $0x80  }
0x78: {  	[sflag:s3] =	ssyncset.done $0x0  }
0x79: {  	[sflag:s3] =	ssyncadd.s32 $0xFFFFFF80  }
0x7a: {  	[tilespmem:s2], [sflag:$0x2] =	stream.linear.gather [hbm4b:s6+s2], $0x40, $0x38;
	[tilespmem:$0x500] =	vst v63  }
0x7b: {  	_ =	swait.ge [sflag:s3], $0x40  }
0x7c: {  	[sflag:s3] =	ssyncset.done $0x0  }
0x7d: {  	[sflag:s3] =	ssyncadd.s32 $0xFFFFFFC0  }
0x7e: {  	[tilespmem:s8], [sflag:$0x2] =	stream.linear.gather [hbm4b:s7+s2], $0x40, $0x38;
	[tilespmem:$0x500] =	vst v63  }
0x7f: {  	_ =	swait.ge [sflag:s3], $0x40  }
0x80: {  	[sflag:s3] =	ssyncset.done $0x0  }
0x81: {  	[sflag:s3] =	ssyncadd.s32 $0xFFFFFFC0  }
0x82: {  	[tilespmem:s10], [sflag:$0x2] =	stream.linear.gather [hbm4b:s9+s2], $0x40, $0x38;
	[tilespmem:$0x500] =	vst v63  }
0x83: {  	_ =	swait.ge [sflag:s3], $0x40  }
0x84: {  	[sflag:s3] =	ssyncset.done $0x0  }
0x85: {  	[sflag:s3] =	ssyncadd.s32 $0xFFFFFFC0  }
0x86: {  	[tilespmem:s12], [sflag:$0x2] =	stream.linear.gather [hbm4b:s11+s2], $0x40, $0x38;
	[tilespmem:$0x500] =	vst v63  }
0x87: {  	_ =	swait.ge [sflag:s3], $0x40  }
0x88: {  	[sflag:s3] =	ssyncset.done $0x0  }
0x89: {  	[sflag:s3] =	ssyncadd.s32 $0xFFFFFFC0  }
0x8a: {  	[tilespmem:s14], [sflag:$0x2] =	stream.linear.gather [hbm4b:s13+s2], $0x40, $0x38;
	[tilespmem:$0x500] =	vst v63  }
0x8b: {  	_ =	swait.ge [sflag:s3], $0x40  }
0x8c: {  	[sflag:s3] =	ssyncset.done $0x0  }
0x8d: {  	[sflag:s3] =	ssyncadd.s32 $0xFFFFFFC0  }
0x8e: {  	[tilespmem:s16], [sflag:$0x2] =	stream.linear.gather [hbm4b:s15+s2], $0x40, $0x38;
	[tilespmem:$0x500] =	vst v63  }
0x8f: {  	_ =	swait.ge [sflag:s3], $0x40  }
0x90: {  	[sflag:s3] =	ssyncset.done $0x0  }
0x91: {  	[sflag:s3] =	ssyncadd.s32 $0xFFFFFFC0  }
0x92: {  	v2 =	vld [tilespmem:$0x30]  }
0x93: {  	v3 =	vld [tilespmem:$0x10]  }
0x94: {  	v4 =	vld [tilespmem:$0x0]  }
0x95: {  	v5 =	vld [tilespmem:$0x20];
	_ =	sdelay $0x1  }
0x96: {  	v6 =	vadd.s32 v1, v2;
	v2 =	vadd.s32 v0, v2  }
0x97: {  	[tilespmem:$0xF0] =	vst v2  }
0x98: {  	v7 =	vadd.s32 v1, v3;
	v3 =	vadd.s32 v0, v3;
	v2 =	vadd.s32 v1, v4;
	[tilespmem:$0xB0] =	vst v6  }
0x99: {  	[tilespmem:$0x80] =	vst v2;
	v2 =	vadd.s32 v0, v4;
	v4 =	vadd.s32 v1, v5;
	v5 =	vadd.s32 v0, v5  }
0x9a: {  	[tilespmem:$0xD0] =	vst v3  }
0x9b: {  	[tilespmem:$0xC0] =	vst v2  }
0x9c: {  	[tilespmem:$0xA0] =	vst v4  }
0x9d: {  	[tilespmem:$0xE0] =	vst v5  }
0x9e: {  	[tilespmem:$0x90] =	vst v7  }
0x9f: {  	[tilespmem:s21], [sflag:$0x1] =	stream.indirect.gather [hbm4b:s4+s19], $0x1, s19, s19, $0xb8;
	[tilespmem:$0x500] =	vst v63  }
0xa0: {  	_ =	swait.ge [sflag:s18], $0x80  }
0xa1: {  	[sflag:s18] =	ssyncset.done $0x0  }
0xa2: {  	[sflag:s18] =	ssyncadd.s32 $0xFFFFFF80  }
0xa3: {  	[tilespmem:s23], [sflag:$0x1] =	stream.indirect.gather [hbm4b:s5+s19], $0x1, s19, s19, $0xb8;
	[tilespmem:$0x500] =	vst v63  }
0xa4: {  	_ =	swait.ge [sflag:s18], $0x80  }
0xa5: {  	[sflag:s18] =	ssyncset.done $0x0  }
0xa6: {  	[sflag:s18] =	ssyncadd.s32 $0xFFFFFF80  }
0xa7: {  	v2 =	vld [tilespmem:$0x1E0]  }
0xa8: {  	v3 =	vld [tilespmem:$0x2A0]  }
0xa9: {  	v4 =	vld [tilespmem:$0x1A0]  }
0xaa: {  	v7 =	vld [tilespmem:$0x3A0]  }
0xab: {  	v6 =	vld [tilespmem:$0x420]  }
0xac: {  	v8 =	vld [tilespmem:$0x150]  }
0xad: {  	v9 =	vld [tilespmem:$0x290]  }
0xae: {  	v10 =	vld [tilespmem:$0x410]  }
0xaf: {  	v12 =	vld [tilespmem:$0x310]  }
0xb0: {  	v11 =	vld [tilespmem:$0x390];
	v5 =	vmul.f32 v4, v6;
	v4 =	vmul.f32 v2, v6  }
0xb1: {  	v2 =	vmul.f32 v3, v6;
	v3 =	vmul.f32 v7, v6;
	v14 =	vld [tilespmem:$0x180]  }
0xb2: {  	v16 =	vld [tilespmem:$0x300]  }
0xb3: {  	v3 =	vsub.f32 v4, v3;
	v7 =	vmul.f32 v8, v10;
	v8 =	vmul.f32 v9, v10;
	v9 =	vld [tilespmem:$0x1D0]  }
0xb4: {  	v4 =	vld [tilespmem:$0x110]  }
0xb5: {  	v17 =	vld [tilespmem:$0x210];
	v7 =	vsub.f32 v7, v8  }
0xb6: {  	v18 =	vld [tilespmem:$0x200]  }
0xb7: {  	v19 =	vld [tilespmem:$0x100]  }
0xb8: {  	v20 =	vld [tilespmem:$0x190];
	v8 =	vmul.f32 v9, v10;
	v9 =	vmul.f32 v11, v10  }
0xb9: {  	v13 =	vld [tilespmem:$0x280];
	v4 =	vmul.f32 v4, v10  }
0xba: {  	v15 =	vld [tilespmem:$0x140];
	v17 =	vmul.f32 v17, v10;
	v8 =	vsub.f32 v8, v9  }
0xbb: {  	v11 =	vld [tilespmem:$0x400]  }
0xbc: {  	v9 =	vsub.f32 v4, v17;
	v4 =	vld [tilespmem:$0x160]  }
0xbd: {  	v12 =	vmul.f32 v12, v10;
	v21 =	vld [tilespmem:$0x1C0];
	v17 =	vmul.f32 v20, v10  }
0xbe: {  	v20 =	vld [tilespmem:$0x320]  }
0xbf: {  	v22 =	vld [tilespmem:$0x380];
	v12 =	vsub.f32 v17, v12  }
.Ltmp1:
0xc0: {  	v17 =	vadd.f32 $0.0e+00, v11;
	v19 =	vmul.f32 v19, v11;
	(pc) =	sbr.rel @p0 .LBB2_1-.Ltmp1, $4  }
0xc1: {  	v23 =	vmul.f32 v18, v11;
	v24 =	vmul.f32 v14, v11  }
0xc2: {  	v26 =	vmul.f32 v16, v11;
	v25 =	vadd.f32 v10, v17;
	v17 =	vld [tilespmem:$0x220];
	v18 =	vmul.f32 v21, v11  }
0xc3: {  	v16 =	vsub.f32 v19, v23;
	v10 =	vmul.f32 v4, v6;
	v19 =	vld [tilespmem:$0x120];
	v14 =	vmul.f32 v20, v6  }
0xc4: {  	v20 =	vsub.f32 v24, v26;
	v4 =	vadd.f32 v6, v25;
	v21 =	vmul.f32 v22, v11  }
.LBB2_2:
0xc5: {  	v0 =	vmul.f32 v15, v11;
	v1 =	vmul.f32 v13, v11;
	_ =	sdelay $0x1  }
0xc6: {  	v0 =	vsub.f32 v0, v1  }
0xc7: {  	v38 =	vld [tilespmem:$0x230]  }
0xc8: {  	v42 =	vld [tilespmem:$0x430];
	v16 =	vand.u32 $0x7FFFFFFF, v16;
	v12 =	vand.u32 $0x7FFFFFFF, v12;
	v0 =	vand.u32 $0x7FFFFFFF, v0  }
0xc9: {  	v43 =	vld [tilespmem:$0x130];
	v9 =	vand.u32 $0x7FFFFFFF, v9;
	v5 =	vsub.f32 v5, v14;
	v0 =	vadd.f32 v0, v16  }
0xca: {  	v45 =	vld [tilespmem:$0x170];
	v37 =	vsub.f32 v18, v21;
	v41 =	vmul.f32 v17, v6;
	v40 =	vmul.f32 v19, v6  }
0xcb: {  	v44 =	vld [tilespmem:$0x2B0];
	v7 =	vand.u32 $0x7FFFFFFF, v7;
	v2 =	vsub.f32 v10, v2;
	v0 =	vadd.f32 v9, v0  }
0xcc: {  	v39 =	vand.u32 $0x7FFFFFFF, v20;
	v11 =	vand.u32 $0x7FFFFFFF, v37;
	v6 =	vsub.f32 v40, v41  }
0xcd: {  	v8 =	vand.u32 $0x7FFFFFFF, v8;
	v46 =	vld [tilespmem:$0x1B0];
	v11 =	vadd.f32 v11, v39;
	v0 =	vadd.f32 v7, v0  }
0xce: {  	v48 =	vld [tilespmem:$0x330];
	v1 =	vmul.f32 v38, v42;
	v47 =	vmul.f32 v43, v42;
	v6 =	vand.u32 $0x7FFFFFFF, v6  }
0xcf: {  	v49 =	vld [tilespmem:$0x1F0];
	v2 =	vand.u32 $0x7FFFFFFF, v2;
	v51 =	vmul.f32 v45, v42;
	v0 =	vadd.f32 v6, v0  }
0xd0: {  	v50 =	vld [tilespmem:$0x3B0];
	v52 =	vmul.f32 v44, v42;
	v11 =	vadd.f32 v12, v11;
	v1 =	vsub.f32 v47, v1  }
0xd1: {  	v57 =	vand.u32 $0x7FFFFFFF, v3;
	v5 =	vand.u32 $0x7FFFFFFF, v5;
	v0 =	vadd.f32 v2, v0  }
0xd2: {  	v54 =	vsub.f32 v51, v52;
	v8 =	vadd.f32 v8, v11;
	v1 =	vand.u32 $0x7FFFFFFF, v1  }
0xd3: {  	v55 =	vmul.f32 v48, v42;
	v56 =	vmul.f32 v46, v42;
	v0 =	vadd.f32 v1, v0  }
0xd4: {  	v58 =	vmul.f32 v49, v42;
	v53 =	vadd.f32 v5, v8;
	v5 =	vand.u32 $0x7FFFFFFF, v54  }
0xd5: {  	v7 =	vsub.f32 v56, v55;
	v6 =	vmul.f32 v50, v42;
	v0 =	vadd.f32 v5, v0  }
0xd6: {  	v1 =	vadd.f32 v57, v53  }
0xd7: {  	v60 =	vand.u32 $0x7FFFFFFF, v7;
	v59 =	vsub.f32 v58, v6;
	[tilespmem:$0x480] =	vst v0  }
0xd8: {  	v61 =	vadd.f32 v60, v1;
	[hbm4b:s24+s2] =	stream.linear.scatter [tilespmem:s20], [sflag:$0x2], $0x80, $0x38;
	[tilespmem:$0x500] =	vst v63  }
0xd9: {  	v62 =	vand.u32 $0x7FFFFFFF, v59;
	_ =	swait.ge [sflag:s3], $0x80  }
0xda: {  	v0 =	vadd.f32 v62, v61;
	[sflag:s3] =	ssyncset.done $0x0  }
0xdb: {  	[sflag:s3] =	ssyncadd.s32 $0xFFFFFF80  }
0xdc: {  	[tilespmem:$0x480] =	vst v0  }
0xdd: {  	[hbm4b:s22+s2] =	stream.linear.scatter [tilespmem:s20], [sflag:$0x2], $0x80, $0x38;
	[tilespmem:$0x500] =	vst v63  }
0xde: {  	_ =	swait.ge [sflag:s3], $0x80  }
0xdf: {  	v63 =	vadd.f32 v42, v4;
	[sflag:s3] =	ssyncset.done $0x0  }
0xe0: {  	[sflag:s3] =	ssyncadd.s32 $0xFFFFFF80  }
0xe1: {  	[tilespmem:$0x480] =	vst v63  }
0xe2: {  	[hbm4b:s17+s2] =	stream.linear.scatter [tilespmem:s20], [sflag:$0x2], $0x80, $0x38;
	[tilespmem:$0x500] =	vst v63  }
0xe3: {  	_ =	swait.ge [sflag:s3], $0x80  }
0xe4: {  	[sflag:s3] =	ssyncset.done $0x0  }
0xe5: {  	[sflag:s3] =	ssyncadd.s32 $0xFFFFFF80  }
0xe6: {  	_ =	sfence.sel $0x180000  }
0xe7: {  	[bflag:$0x0] =	sbarrier.arrive $0xFFFF  }
0xe8: {  	p0 =	sne.s32 s0, $0x0;
	_ =	strace $0x90000047  }
0xe9: {  	s0 =	sadd.s32 @!p0 $0x100000, s1;
	[bflag:$0x2] =	sbarrier.arrive $0xFFFF  }
0xea: {  	[sflag:s0] =	ssyncadd.tile.s32 @!p0 $0x1;
	_ =	shalt  }
.Lfunc_end2:
_tile_overlayer_lowered:
.L_overlay_start_2:
0xeb: {  	(tag) =	ssettag $0x2  }
0xec: {  	s0 =	rddreg [dreg:$0x0];
	s2 =	stileid.u32  }
0xed: {  	s1 =	rddreg [dreg:$0x1];
	p0 =	sne.s32 s2, $0x0  }
0xee: {  	s3 =	rddreg [dreg:$0x2];
	[bflag:$0x3] =	sbarrier.arrive $0xFFFF;
	s2 =	simm.s32 @!p0 $0x1C02  }
0xef: {  	[timem:s3], [sflag:s2] =	dma.local @!p0 [hbm:s0], s1  }
0xf0: {  	s0 =	simm.s32 @!p0 $0x2  }
0xf1: {  	_ =	swait.ge @!p0 [sflag:s0], s1  }
0xf2: {  	s1 =	ssub.s32 @!p0 $0x0, s1;
	[sflag:s0] =	ssyncset.done @!p0 $0x0  }
0xf3: {  	[sflag:s0] =	ssyncadd.s32 @!p0 s1  }
0xf4: {  	[bflag:$0x3] =	sbarrier.arrive $0xFFFF  }
0xf5: {  	_ =	shalt  }

</sc_bundles>
